<compile_context>
chip_gen: v7x
topology: tpu7x:2x2x1
jax: 0.10.2.dev20260603
libtpu: 0.0.44.dev20260713+nightly
codegen_flags: <defaults>
</compile_context>

<pallas_src>
import functools

import jax
import jax.numpy as jnp
from jax import lax
from jax.experimental import pallas as pl
from jax.experimental.pallas import tpu as pltpu
from jax.experimental.pallas import tpu_sc as plsc

N = 10000
D = 128
E = 320000

NC = 2
NS = 16
NW = NC * NS
CHUNK = 128
NCH0 = 96
NCH1 = 61
NCHMAX = 96
CH0 = NS * NCH0
CH_TOT = NS * (NCH0 + NCH1)
ROWS_TOT = 2560
EPAD = ROWS_TOT * CHUNK
SINK = N
AROWS = 10112
ZR = AROWS // NS

RB = 1000
DSIZE = 10240
HCAT = 32


def _chunk_bounds(c, s):
    b = jnp.where(c == 0, NCH0, NCH1)
    off = jnp.where(c == 0, s * NCH0, CH0 + s * NCH1)
    return b, off


def _make_agg(d):
    mesh = plsc.VectorSubcoreMesh(core_axis_name="c", subcore_axis_name="s",
                                  num_cores=NC, num_subcores=NS)
    out_type = jax.ShapeDtypeStruct((NC, AROWS, d), jnp.float32)
    scratch = [
        pltpu.VMEM((NCHMAX, CHUNK), jnp.int32),
        pltpu.VMEM((NCHMAX, CHUNK), jnp.int32),
        pltpu.VMEM((CHUNK, d), jnp.float32),
        pltpu.VMEM_SHARED((AROWS, d), jnp.float32),
        pltpu.SemaphoreType.DMA,
    ]

    def body(h, srcm, dstm, zrows, acc_out,
             src_v, dst_v, rows_v, acc_sh, sem):
        c = lax.axis_index("c")
        s = lax.axis_index("s")
        b, off = _chunk_bounds(c, s)
        pltpu.sync_copy(srcm.at[pl.ds(off, NCHMAX)], src_v)
        pltpu.sync_copy(dstm.at[pl.ds(off, NCHMAX)], dst_v)
        pltpu.sync_copy(zrows.at[pl.ds(s * ZR, ZR)], acc_sh.at[pl.ds(s * ZR, ZR)])
        plsc.subcore_barrier()

        def step(j, carry):
            @pl.when(j < b)
            def _():
                pltpu.async_copy(h.at[src_v.at[j]], rows_v, sem).wait()
                pltpu.sync_copy(rows_v, acc_sh.at[dst_v.at[j]], add=True)
            return carry

        lax.fori_loop(0, NCHMAX, step, 0)
        plsc.subcore_barrier()
        pltpu.sync_copy(acc_sh.at[pl.ds(s * ZR, ZR)],
                        acc_out.at[c, pl.ds(s * ZR, ZR)])

    return pl.kernel(body, out_type=out_type, mesh=mesh, scratch_types=scratch,
                     compiler_params=pltpu.CompilerParams(needs_layout_passes=False,
                                                          use_tc_tiling_on_sc=False))


def _make_deg():
    mesh = plsc.VectorSubcoreMesh(core_axis_name="c", subcore_axis_name="s",
                                  num_cores=NC, num_subcores=NS)
    out_type = jax.ShapeDtypeStruct((NC, NS, DSIZE), jnp.float32)
    scratch = [
        pltpu.VMEM((NCHMAX, CHUNK), jnp.int32),
        pltpu.VMEM((DSIZE,), jnp.float32),
        pltpu.SemaphoreType.DMA,
    ]

    def body(dstm, deg_out, dst_v, deg_v, sem):
        c = lax.axis_index("c")
        s = lax.axis_index("s")
        b, off = _chunk_bounds(c, s)
        cp = pltpu.async_copy(dstm.at[pl.ds(off, NCHMAX)], dst_v, sem)

        def zstep(i, carry):
            deg_v[pl.ds(i * 16, 16)] = jnp.zeros((16,), jnp.float32)
            return carry
        lax.fori_loop(0, DSIZE // 16, zstep, 0)
        cp.wait()

        ones = jnp.full((16,), 1.0, jnp.float32)

        def step(j, carry):
            @pl.when(j < b)
            def _():
                for t in range(CHUNK // 16):
                    dvec = dst_v[j, pl.ds(t * 16, 16)]
                    plsc.addupdate_scatter(deg_v, [dvec], ones)
            return carry

        lax.fori_loop(0, NCHMAX, step, 0)
        pltpu.sync_copy(deg_v, deg_out.at[c, s])

    return pl.kernel(body, out_type=out_type, mesh=mesh, scratch_types=scratch,
                     compiler_params=pltpu.CompilerParams(needs_layout_passes=False,
                                                          use_tc_tiling_on_sc=False))


_make_agg = functools.lru_cache(None)(_make_agg)
_make_deg = functools.lru_cache(None)(_make_deg)


def _agg128(*args):
    return _make_agg(D)(*args)


def _agg32(*args):
    return _make_agg(HCAT)(*args)


def _layer_body(a0, a1, deg, x, Wl, Wr, b, out):
    rd = 1.0 / jnp.maximum(deg[...], 1.0)
    mean = (a0[...] + a1[...]) * rd
    h = (jnp.dot(mean, Wl[...], preferred_element_type=jnp.float32)
         + jnp.dot(x[...], Wr[...], preferred_element_type=jnp.float32)
         + b[...])
    out[...] = jnp.maximum(h, 0.0)


def _layer3_body(a0, a1, deg, x, Wl, Wr, b, Wlcat, out, outp):
    rd = 1.0 / jnp.maximum(deg[...], 1.0)
    mean = (a0[...] + a1[...]) * rd
    h = (jnp.dot(mean, Wl[...], preferred_element_type=jnp.float32)
         + jnp.dot(x[...], Wr[...], preferred_element_type=jnp.float32)
         + b[...])
    h = jnp.maximum(h, 0.0)
    out[...] = h
    outp[...] = jnp.dot(h, Wlcat[...], preferred_element_type=jnp.float32)


def _heads_body(a0, a1, deg, h3, Wrcat, bcat, out):
    rd = 1.0 / jnp.maximum(deg[...], 1.0)
    meanp = (a0[...] + a1[...]) * rd
    out[...] = (meanp
                + jnp.dot(h3[...], Wrcat[...], preferred_element_type=jnp.float32)
                + bcat[...])


def _row_spec(cols):
    return pl.BlockSpec((RB, cols), lambda i: (i, 0))


def _full_spec(rows, cols):
    return pl.BlockSpec((rows, cols), lambda i: (0, 0))


def _tc_layer(a0, a1, deg, x, Wl, Wr, b):
    return pl.pallas_call(
        _layer_body,
        grid=(N // RB,),
        in_specs=[_row_spec(D), _row_spec(D), _row_spec(1), _row_spec(D),
                  _full_spec(D, D), _full_spec(D, D), _full_spec(1, D)],
        out_specs=_row_spec(D),
        out_shape=jax.ShapeDtypeStruct((N, D), jnp.float32),
    )(a0, a1, deg, x, Wl, Wr, b)


def _tc_layer3(a0, a1, deg, x, Wl, Wr, b, Wlcat):
    return pl.pallas_call(
        _layer3_body,
        grid=(N // RB,),
        in_specs=[_row_spec(D), _row_spec(D), _row_spec(1), _row_spec(D),
                  _full_spec(D, D), _full_spec(D, D), _full_spec(1, D),
                  _full_spec(D, HCAT)],
        out_specs=[_row_spec(D), _row_spec(HCAT)],
        out_shape=[jax.ShapeDtypeStruct((N, D), jnp.float32),
                   jax.ShapeDtypeStruct((N, HCAT), jnp.float32)],
    )(a0, a1, deg, x, Wl, Wr, b, Wlcat)


def _tc_heads(a0, a1, deg, h3, Wrcat, bcat):
    return pl.pallas_call(
        _heads_body,
        grid=(N // RB,),
        in_specs=[_row_spec(HCAT), _row_spec(HCAT), _row_spec(1), _row_spec(D),
                  _full_spec(D, HCAT), _full_spec(1, HCAT)],
        out_specs=_row_spec(HCAT),
        out_shape=jax.ShapeDtypeStruct((N, HCAT), jnp.float32),
    )(a0, a1, deg, h3, Wrcat, bcat)


def _pad_cat(ws):
    cat = jnp.concatenate(ws, axis=1)
    return jnp.pad(cat, ((0, 0), (0, HCAT - cat.shape[1])))


def kernel(x, edge_index, c1_Wl, c1_Wr, c1_b, c2_Wl, c2_Wr, c2_b,
           c3_Wl, c3_Wr, c3_b, ca_Wl, ca_Wr, ca_b, cs_Wl, cs_Wr, cs_b,
           ce_Wl, ce_Wr, ce_b):
    src = edge_index[0].astype(jnp.int32)
    dst = edge_index[1].astype(jnp.int32)
    pad = EPAD - E
    srcm = jnp.concatenate([src, jnp.zeros((pad,), jnp.int32)]).reshape(ROWS_TOT, CHUNK)
    sinks = SINK + (jnp.arange(pad, dtype=jnp.int32) % (AROWS - N))
    dstm = jnp.concatenate([dst, sinks]).reshape(ROWS_TOT, CHUNK)
    z128 = jnp.zeros((AROWS, D), jnp.float32)
    z32 = jnp.zeros((AROWS, HCAT), jnp.float32)

    degw = _make_deg()(dstm)
    deg = degw.reshape(NW, DSIZE).sum(axis=0)[:N].reshape(N, 1)
    accx = _agg128(x, srcm, dstm, z128)

    h1 = _tc_layer(accx[0, :N], accx[1, :N], deg, x, c1_Wl, c1_Wr,
                   c1_b.reshape(1, D))
    acc1 = _agg128(h1, srcm, dstm, z128)
    h2 = _tc_layer(acc1[0, :N], acc1[1, :N], deg, h1, c2_Wl, c2_Wr,
                   c2_b.reshape(1, D))
    acc2 = _agg128(h2, srcm, dstm, z128)

    Wlcat = _pad_cat([ca_Wl, cs_Wl, ce_Wl])
    h3, p3 = _tc_layer3(acc2[0, :N], acc2[1, :N], deg, h2, c3_Wl, c3_Wr,
                        c3_b.reshape(1, D), Wlcat)
    accp = _agg32(p3, srcm, dstm, z32)

    Wrcat = _pad_cat([ca_Wr, cs_Wr, ce_Wr])
    bcat = jnp.concatenate([ca_b, cs_b, ce_b,
                            jnp.zeros((HCAT - 28,), jnp.float32)]).reshape(1, HCAT)
    outh = _tc_heads(accp[0, :N], accp[1, :N], deg, h3, Wrcat, bcat)
    return outh[:, :21], outh[:, 21:23], outh[:, 23:28]

# --- scband reference (transcript-rebuilt; emitter-appended) ---
"""Pipeline reference for scband-enhanced-gnnmodel-42709154791574 (READ-ONLY COPY).

The authoritative reference and input builder live on the scoring server;
editing this copy changes nothing except your own understanding.
"""

import jax, jax.numpy as jnp
import numpy as np

N = 10000
E = 320000
D = 128
H = 128
C_AGE = 21
C_SEX = 2
C_ETH = 5


def _init_w(key, shape, fan_in):
    return jax.random.uniform(key, shape, jnp.float32, -1.0, 1.0) / np.sqrt(fan_in)


def setup_inputs(seed: int = 0) -> dict:
    key = jax.random.key(seed)
    ks = jax.random.split(key, 24)
    x = jax.random.normal(ks[0], (N, D), jnp.float32)
    edge_index = jax.random.randint(ks[1], (2, E), 0, N)
    inp = {"x": x, "edge_index": edge_index}
    # SAGEConv params: lin_l (applied to mean-aggregated neighbors, has bias) and lin_r (root weight)
    layer_dims = [(D, H), (H, H), (H, H), (H, C_AGE), (H, C_SEX), (H, C_ETH)]
    names = ["c1", "c2", "c3", "ca", "cs", "ce"]
    ki = 2
    for name, (din, dout) in zip(names, layer_dims):
        inp[name + "_Wl"] = _init_w(ks[ki], (din, dout), din); ki += 1
        inp[name + "_Wr"] = _init_w(ks[ki], (din, dout), din); ki += 1
        inp[name + "_b"] = jnp.zeros((dout,), jnp.float32)
    return inp


def _sage_conv(x, src, dst, Wl, Wr, b):
    n = x.shape[0]
    msg = x[src]
    agg = jax.ops.segment_sum(msg, dst, num_segments=n)
    deg = jax.ops.segment_sum(jnp.ones((src.shape[0],), x.dtype), dst, num_segments=n)
    mean = agg / jnp.maximum(deg, 1.0)[:, None]
    return mean @ Wl + x @ Wr + b


def reference(x, edge_index, c1_Wl, c1_Wr, c1_b, c2_Wl, c2_Wr, c2_b, c3_Wl, c3_Wr, c3_b, ca_Wl, ca_Wr, ca_b, cs_Wl, cs_Wr, cs_b, ce_Wl, ce_Wr, ce_b):
    src = edge_index[0]
    dst = edge_index[1]
    h = jax.nn.relu(_sage_conv(x, src, dst, c1_Wl, c1_Wr, c1_b))
    h = jax.nn.relu(_sage_conv(h, src, dst, c2_Wl, c2_Wr, c2_b))
    h = jax.nn.relu(_sage_conv(h, src, dst, c3_Wl, c3_Wr, c3_b))
    age_out = _sage_conv(h, src, dst, ca_Wl, ca_Wr, ca_b)
    sex_out = _sage_conv(h, src, dst, cs_Wl, cs_Wr, cs_b)
    eth_out = _sage_conv(h, src, dst, ce_Wl, ce_Wr, ce_b)
    return (age_out, sex_out, eth_out)

if __name__ == "__main__":
    import jax
    _d = setup_inputs()
    print(jax.jit(kernel)(*tuple(_d.values())))

</pallas_src>

<mosaic_0001>
#map = affine_map<(d0, d1) -> (0, 0)>
#map1 = affine_map<(d0, d1) -> (0, 0, 0)>
module attributes {stable_mosaic.version = 14 : i64} {
  func.func @body(%arg0: i32, %arg1: i32, %arg2: memref<10000x128xf32, #tpu.memory_space<hbm>>, %arg3: memref<2560x128xi32, #tpu.memory_space<hbm>>, %arg4: memref<2560x128xi32, #tpu.memory_space<hbm>>, %arg5: memref<10112x128xf32, #tpu.memory_space<hbm>>, %arg6: memref<2x10112x128xf32, #tpu.memory_space<hbm>>, %arg7: memref<96x128xi32, #tpu.memory_space<vmem>>, %arg8: memref<96x128xi32, #tpu.memory_space<vmem>>, %arg9: memref<128x128xf32, #tpu.memory_space<vmem>>, %arg10: memref<10112x128xf32, #tpu.memory_space<vmem_shared>>, %arg11: memref<!tpu.dma_semaphore, #tpu.memory_space<semaphore_mem>>) attributes {dimension_semantics = [#tpu.dimension_semantics<core_parallel>, #tpu.dimension_semantics<subcore_parallel>], iteration_bounds = array<i64: 2, 16>, scalar_prefetch = 0 : i64, scratch_operands = 5 : i64, tpu.core_type = #tpu.core_type<sc_vector_subcore>, window_params = [{transform_indices = #map}, {transform_indices = #map}, {transform_indices = #map}, {transform_indices = #map}, {transform_indices = #map1}]} {
    %eq3A = arith.constant 0 : i32
    %eq3A_0 = arith.cmpi eq, %arg0, %eq3A : i32
    %jit3A = arith.constant 96 : i32
    %jit3A_1 = arith.constant 61 : i32
    %select_n3A = arith.select %eq3A_0, %jit3A, %jit3A_1 : i32
    %eq3A_2 = arith.constant 0 : i32
    %eq3A_3 = arith.cmpi eq, %arg0, %eq3A_2 : i32
    %mul3A = arith.constant 96 : i32
    %mul3A_4 = arith.muli %arg1, %mul3A : i32
    %mul3A_5 = arith.constant 61 : i32
    %mul3A_6 = arith.muli %arg1, %mul3A_5 : i32
    %add3A = arith.constant 1536 : i32
    %add3A_7 = arith.addi %add3A, %mul3A_6 : i32
    %select_n3A_8 = arith.select %eq3A_3, %mul3A_4, %add3A_7 : i32
    "tpu.region"() ({
      %run_scoped3A = tpu.sem_alloc : memref<!tpu.dma_semaphore, #tpu.memory_space<semaphore_mem>>
      %dma_start3A = arith.constant 0 : i32
      %dma_start3A_23 = tpu.memref_slice %arg3[%select_n3A_8, %dma_start3A] : memref<2560x128xi32, #tpu.memory_space<hbm>> -> memref<96x128xi32, #tpu.memory_space<hbm>>
      %dma_start3A_24 = arith.constant 0 : i32
      %dma_start3A_25 = tpu.memref_slice %arg3[%select_n3A_8, %dma_start3A_24] : memref<2560x128xi32, #tpu.memory_space<hbm>> -> memref<96x128xi32, #tpu.memory_space<hbm>>
      tpu.enqueue_dma source(%dma_start3A_25 : memref<96x128xi32, #tpu.memory_space<hbm>>) target(%arg7 : memref<96x128xi32, #tpu.memory_space<vmem>>) target_semaphore(%run_scoped3A : memref<!tpu.dma_semaphore, #tpu.memory_space<semaphore_mem>>)
      %dma_wait3A = arith.constant 0 : i32
      %dma_wait3A_26 = tpu.memref_slice %arg3[%select_n3A_8, %dma_wait3A] : memref<2560x128xi32, #tpu.memory_space<hbm>> -> memref<96x128xi32, #tpu.memory_space<hbm>>
      %dma_wait3A_27 = arith.constant 0 : i32
      %dma_wait3A_28 = tpu.memref_slice %arg3[%select_n3A_8, %dma_wait3A_27] : memref<2560x128xi32, #tpu.memory_space<hbm>> -> memref<96x128xi32, #tpu.memory_space<hbm>>
      tpu.wait_dma2 semaphore(%run_scoped3A : memref<!tpu.dma_semaphore, #tpu.memory_space<semaphore_mem>>) src(%dma_wait3A_28 : memref<96x128xi32, #tpu.memory_space<hbm>>) dst(%arg7 : memref<96x128xi32, #tpu.memory_space<vmem>>)
      tpu.yield
    }) : () -> ()
    "tpu.region"() ({
      %run_scoped3A = tpu.sem_alloc : memref<!tpu.dma_semaphore, #tpu.memory_space<semaphore_mem>>
      %dma_start3A = arith.constant 0 : i32
      %dma_start3A_23 = tpu.memref_slice %arg4[%select_n3A_8, %dma_start3A] : memref<2560x128xi32, #tpu.memory_space<hbm>> -> memref<96x128xi32, #tpu.memory_space<hbm>>
      %dma_start3A_24 = arith.constant 0 : i32
      %dma_start3A_25 = tpu.memref_slice %arg4[%select_n3A_8, %dma_start3A_24] : memref<2560x128xi32, #tpu.memory_space<hbm>> -> memref<96x128xi32, #tpu.memory_space<hbm>>
      tpu.enqueue_dma source(%dma_start3A_25 : memref<96x128xi32, #tpu.memory_space<hbm>>) target(%arg8 : memref<96x128xi32, #tpu.memory_space<vmem>>) target_semaphore(%run_scoped3A : memref<!tpu.dma_semaphore, #tpu.memory_space<semaphore_mem>>)
      %dma_wait3A = arith.constant 0 : i32
      %dma_wait3A_26 = tpu.memref_slice %arg4[%select_n3A_8, %dma_wait3A] : memref<2560x128xi32, #tpu.memory_space<hbm>> -> memref<96x128xi32, #tpu.memory_space<hbm>>
      %dma_wait3A_27 = arith.constant 0 : i32
      %dma_wait3A_28 = tpu.memref_slice %arg4[%select_n3A_8, %dma_wait3A_27] : memref<2560x128xi32, #tpu.memory_space<hbm>> -> memref<96x128xi32, #tpu.memory_space<hbm>>
      tpu.wait_dma2 semaphore(%run_scoped3A : memref<!tpu.dma_semaphore, #tpu.memory_space<semaphore_mem>>) src(%dma_wait3A_28 : memref<96x128xi32, #tpu.memory_space<hbm>>) dst(%arg8 : memref<96x128xi32, #tpu.memory_space<vmem>>)
      tpu.yield
    }) : () -> ()
    %mul3A_9 = arith.constant 632 : i32
    %mul3A_10 = arith.muli %arg1, %mul3A_9 : i32
    %mul3A_11 = arith.constant 632 : i32
    %mul3A_12 = arith.muli %arg1, %mul3A_11 : i32
    "tpu.region"() ({
      %run_scoped3A = tpu.sem_alloc : memref<!tpu.dma_semaphore, #tpu.memory_space<semaphore_mem>>
      %dma_start3A = arith.constant 0 : i32
      %dma_start3A_23 = tpu.memref_slice %arg10[%mul3A_12, %dma_start3A] : memref<10112x128xf32, #tpu.memory_space<vmem_shared>> -> memref<632x128xf32, #tpu.memory_space<vmem_shared>>
      %dma_start3A_24 = arith.constant 0 : i32
      %dma_start3A_25 = tpu.memref_slice %arg5[%mul3A_10, %dma_start3A_24] : memref<10112x128xf32, #tpu.memory_space<hbm>> -> memref<632x128xf32, #tpu.memory_space<hbm>>
      tpu.enqueue_dma source(%dma_start3A_25 : memref<632x128xf32, #tpu.memory_space<hbm>>) target(%dma_start3A_23 : memref<632x128xf32, #tpu.memory_space<vmem_shared>>) target_semaphore(%run_scoped3A : memref<!tpu.dma_semaphore, #tpu.memory_space<semaphore_mem>>)
      %dma_wait3A = arith.constant 0 : i32
      %dma_wait3A_26 = tpu.memref_slice %arg10[%mul3A_12, %dma_wait3A] : memref<10112x128xf32, #tpu.memory_space<vmem_shared>> -> memref<632x128xf32, #tpu.memory_space<vmem_shared>>
      %dma_wait3A_27 = arith.constant 0 : i32
      %dma_wait3A_28 = tpu.memref_slice %arg5[%mul3A_10, %dma_wait3A_27] : memref<10112x128xf32, #tpu.memory_space<hbm>> -> memref<632x128xf32, #tpu.memory_space<hbm>>
      tpu.wait_dma2 semaphore(%run_scoped3A : memref<!tpu.dma_semaphore, #tpu.memory_space<semaphore_mem>>) src(%dma_wait3A_28 : memref<632x128xf32, #tpu.memory_space<hbm>>) dst(%dma_wait3A_26 : memref<632x128xf32, #tpu.memory_space<vmem_shared>>)
      tpu.yield
    }) : () -> ()
    %barrier3A = arith.constant 0 : index
    tpu.barrier barrier_id(%barrier3A)
    %scan3A = arith.constant 0 : i32
    %scan3A_13 = arith.constant 0 : i32
    %scan3A_14 = arith.constant 96 : i32
    %scan3A_15 = arith.addi %scan3A_13, %scan3A_14 : i32
    %scan3A_16 = arith.constant 1 : i32
    scf.for %scan3A_23 = %scan3A_13 to %scan3A_15 step %scan3A_16  : i32 {
      %lt3A = arith.cmpi slt, %scan3A_23, %select_n3A : i32
      %convert_element_type3A = arith.extui %lt3A : i1 to i32
      %cond3A = arith.constant 0 : i32
      %cond3A_24 = arith.cmpi ne, %convert_element_type3A, %cond3A : i32
      scf.if %cond3A_24 {
        %dma_start3A = arith.constant 0 : i32
        %dma_start3A_25 = tpu.memref_slice %arg7[%scan3A_23, %dma_start3A] : memref<96x128xi32, #tpu.memory_space<vmem>> -> memref<1x128xi32, #tpu.memory_space<vmem>>
        %dma_start3A_26 = tpu.memref_squeeze %dma_start3A_25 : memref<1x128xi32, #tpu.memory_space<vmem>> -> memref<128xi32, #tpu.memory_space<vmem>>
        %dma_start3A_27 = arith.constant 0 : i32
        %dma_start3A_28 = arith.constant 0 : i32
        %dma_start3A_29 = tpu.memref_slice %arg2[%dma_start3A_27, %dma_start3A_28] : memref<10000x128xf32, #tpu.memory_space<hbm>> -> memref<10000x128xf32, #tpu.memory_space<hbm>>
        tpu.enqueue_indirect_dma source(%dma_start3A_29 : memref<10000x128xf32, #tpu.memory_space<hbm>>) target(%arg9 : memref<128x128xf32, #tpu.memory_space<vmem>>) offsets(%dma_start3A_26 : memref<128xi32, #tpu.memory_space<vmem>>) semaphore(%arg11 : memref<!tpu.dma_semaphore, #tpu.memory_space<semaphore_mem>>)
        %dma_wait3A = arith.constant 0 : i32
        %dma_wait3A_30 = tpu.memref_slice %arg7[%scan3A_23, %dma_wait3A] : memref<96x128xi32, #tpu.memory_space<vmem>> -> memref<1x128xi32, #tpu.memory_space<vmem>>
        %dma_wait3A_31 = tpu.memref_squeeze %dma_wait3A_30 : memref<1x128xi32, #tpu.memory_space<vmem>> -> memref<128xi32, #tpu.memory_space<vmem>>
        %dma_wait3A_32 = arith.constant 0 : i32
        %dma_wait3A_33 = arith.constant 0 : i32
        %dma_wait3A_34 = tpu.memref_slice %arg2[%dma_wait3A_32, %dma_wait3A_33] : memref<10000x128xf32, #tpu.memory_space<hbm>> -> memref<10000x128xf32, #tpu.memory_space<hbm>>
        tpu.wait_indirect_dma semaphore(%arg11 : memref<!tpu.dma_semaphore, #tpu.memory_space<semaphore_mem>>) src(%dma_wait3A_34 : memref<10000x128xf32, #tpu.memory_space<hbm>>) dst(%arg9 : memref<128x128xf32, #tpu.memory_space<vmem>>)
        "tpu.region"() ({
          %run_scoped3A = tpu.sem_alloc : memref<!tpu.dma_semaphore, #tpu.memory_space<semaphore_mem>>
          %dma_start3A_35 = arith.constant 0 : i32
          %dma_start3A_36 = tpu.memref_slice %arg8[%scan3A_23, %dma_start3A_35] : memref<96x128xi32, #tpu.memory_space<vmem>> -> memref<1x128xi32, #tpu.memory_space<vmem>>
          %dma_start3A_37 = tpu.memref_squeeze %dma_start3A_36 : memref<1x128xi32, #tpu.memory_space<vmem>> -> memref<128xi32, #tpu.memory_space<vmem>>
          %dma_start3A_38 = arith.constant 0 : i32
          %dma_start3A_39 = arith.constant 0 : i32
          %dma_start3A_40 = tpu.memref_slice %arg10[%dma_start3A_38, %dma_start3A_39] : memref<10112x128xf32, #tpu.memory_space<vmem_shared>> -> memref<10112x128xf32, #tpu.memory_space<vmem_shared>>
          tpu.enqueue_indirect_dma source(%arg9 : memref<128x128xf32, #tpu.memory_space<vmem>>) target(%dma_start3A_40 : memref<10112x128xf32, #tpu.memory_space<vmem_shared>>) offsets(%dma_start3A_37 : memref<128xi32, #tpu.memory_space<vmem>>) semaphore(%run_scoped3A : memref<!tpu.dma_semaphore, #tpu.memory_space<semaphore_mem>>) {add = true}
          %dma_wait3A_41 = arith.constant 0 : i32
          %dma_wait3A_42 = tpu.memref_slice %arg8[%scan3A_23, %dma_wait3A_41] : memref<96x128xi32, #tpu.memory_space<vmem>> -> memref<1x128xi32, #tpu.memory_space<vmem>>
          %dma_wait3A_43 = tpu.memref_squeeze %dma_wait3A_42 : memref<1x128xi32, #tpu.memory_space<vmem>> -> memref<128xi32, #tpu.memory_space<vmem>>
          %dma_wait3A_44 = arith.constant 0 : i32
          %dma_wait3A_45 = arith.constant 0 : i32
          %dma_wait3A_46 = tpu.memref_slice %arg10[%dma_wait3A_44, %dma_wait3A_45] : memref<10112x128xf32, #tpu.memory_space<vmem_shared>> -> memref<10112x128xf32, #tpu.memory_space<vmem_shared>>
          tpu.wait_indirect_dma semaphore(%run_scoped3A : memref<!tpu.dma_semaphore, #tpu.memory_space<semaphore_mem>>) src(%arg9 : memref<128x128xf32, #tpu.memory_space<vmem>>) dst(%dma_wait3A_46 : memref<10112x128xf32, #tpu.memory_space<vmem_shared>>)
          tpu.yield
        }) : () -> ()
      } else {
      }
    }
    %scan3A_17 = arith.constant 96 : i32
    %barrier3A_18 = arith.constant 0 : index
    tpu.barrier barrier_id(%barrier3A_18)
    %mul3A_19 = arith.constant 632 : i32
    %mul3A_20 = arith.muli %arg1, %mul3A_19 : i32
    %mul3A_21 = arith.constant 632 : i32
    %mul3A_22 = arith.muli %arg1, %mul3A_21 : i32
    "tpu.region"() ({
      %run_scoped3A = tpu.sem_alloc : memref<!tpu.dma_semaphore, #tpu.memory_space<semaphore_mem>>
      %dma_start3A = arith.constant 0 : i32
      %dma_start3A_23 = tpu.memref_slice %arg6[%arg0, %mul3A_22, %dma_start3A] : memref<2x10112x128xf32, #tpu.memory_space<hbm>> -> memref<1x632x128xf32, #tpu.memory_space<hbm>>
      %dma_start3A_24 = tpu.memref_squeeze %dma_start3A_23 : memref<1x632x128xf32, #tpu.memory_space<hbm>> -> memref<632x128xf32, #tpu.memory_space<hbm>>
      %dma_start3A_25 = arith.constant 0 : i32
      %dma_start3A_26 = tpu.memref_slice %arg10[%mul3A_20, %dma_start3A_25] : memref<10112x128xf32, #tpu.memory_space<vmem_shared>> -> memref<632x128xf32, #tpu.memory_space<vmem_shared>>
      tpu.enqueue_dma source(%dma_start3A_26 : memref<632x128xf32, #tpu.memory_space<vmem_shared>>) target(%dma_start3A_24 : memref<632x128xf32, #tpu.memory_space<hbm>>) target_semaphore(%run_scoped3A : memref<!tpu.dma_semaphore, #tpu.memory_space<semaphore_mem>>)
      %dma_wait3A = arith.constant 0 : i32
      %dma_wait3A_27 = tpu.memref_slice %arg6[%arg0, %mul3A_22, %dma_wait3A] : memref<2x10112x128xf32, #tpu.memory_space<hbm>> -> memref<1x632x128xf32, #tpu.memory_space<hbm>>
      %dma_wait3A_28 = tpu.memref_squeeze %dma_wait3A_27 : memref<1x632x128xf32, #tpu.memory_space<hbm>> -> memref<632x128xf32, #tpu.memory_space<hbm>>
      %dma_wait3A_29 = arith.constant 0 : i32
      %dma_wait3A_30 = tpu.memref_slice %arg10[%mul3A_20, %dma_wait3A_29] : memref<10112x128xf32, #tpu.memory_space<vmem_shared>> -> memref<632x128xf32, #tpu.memory_space<vmem_shared>>
      tpu.wait_dma2 semaphore(%run_scoped3A : memref<!tpu.dma_semaphore, #tpu.memory_space<semaphore_mem>>) src(%dma_wait3A_30 : memref<632x128xf32, #tpu.memory_space<vmem_shared>>) dst(%dma_wait3A_28 : memref<632x128xf32, #tpu.memory_space<hbm>>)
      tpu.yield
    }) : () -> ()
    return
  }
}

#map = affine_map<(d0, d1) -> (0, 0)>
#map1 = affine_map<(d0, d1) -> (0, 0, 0)>
module attributes {stable_mosaic.version = 14 : i64} {
  func.func @body(%arg0: i32, %arg1: i32, %arg2: memref<10000x128xf32, #tpu.memory_space<hbm>>, %arg3: memref<2560x128xi32, #tpu.memory_space<hbm>>, %arg4: memref<2560x128xi32, #tpu.memory_space<hbm>>, %arg5: memref<10112x128xf32, #tpu.memory_space<hbm>>, %arg6: memref<2x10112x128xf32, #tpu.memory_space<hbm>>, %arg7: memref<96x128xi32, #tpu.memory_space<vmem>>, %arg8: memref<96x128xi32, #tpu.memory_space<vmem>>, %arg9: memref<128x128xf32, #tpu.memory_space<vmem>>, %arg10: memref<10112x128xf32, #tpu.memory_space<vmem_shared>>, %arg11: memref<!tpu.dma_semaphore, #tpu.memory_space<semaphore_mem>>) attributes {dimension_semantics = [#tpu.dimension_semantics<core_parallel>, #tpu.dimension_semantics<subcore_parallel>], iteration_bounds = array<i64: 2, 16>, scalar_prefetch = 0 : i64, scratch_operands = 5 : i64, tpu.core_type = #tpu.core_type<sc_vector_subcore>, window_params = [{transform_indices = #map}, {transform_indices = #map}, {transform_indices = #map}, {transform_indices = #map}, {transform_indices = #map1}]} {
    %eq3A = arith.constant 0 : i32
    %eq3A_0 = arith.cmpi eq, %arg0, %eq3A : i32
    %jit3A = arith.constant 96 : i32
    %jit3A_1 = arith.constant 61 : i32
    %select_n3A = arith.select %eq3A_0, %jit3A, %jit3A_1 : i32
    %eq3A_2 = arith.constant 0 : i32
    %eq3A_3 = arith.cmpi eq, %arg0, %eq3A_2 : i32
    %mul3A = arith.constant 96 : i32
    %mul3A_4 = arith.muli %arg1, %mul3A : i32
    %mul3A_5 = arith.constant 61 : i32
    %mul3A_6 = arith.muli %arg1, %mul3A_5 : i32
    %add3A = arith.constant 1536 : i32
    %add3A_7 = arith.addi %add3A, %mul3A_6 : i32
    %select_n3A_8 = arith.select %eq3A_3, %mul3A_4, %add3A_7 : i32
    "tpu.region"() ({
      %run_scoped3A = tpu.sem_alloc : memref<!tpu.dma_semaphore, #tpu.memory_space<semaphore_mem>>
      %dma_start3A = arith.constant 0 : i32
      %dma_start3A_23 = tpu.memref_slice %arg3[%select_n3A_8, %dma_start3A] : memref<2560x128xi32, #tpu.memory_space<hbm>> -> memref<96x128xi32, #tpu.memory_space<hbm>>
      %dma_start3A_24 = arith.constant 0 : i32
      %dma_start3A_25 = tpu.memref_slice %arg3[%select_n3A_8, %dma_start3A_24] : memref<2560x128xi32, #tpu.memory_space<hbm>> -> memref<96x128xi32, #tpu.memory_space<hbm>>
      tpu.enqueue_dma source(%dma_start3A_25 : memref<96x128xi32, #tpu.memory_space<hbm>>) target(%arg7 : memref<96x128xi32, #tpu.memory_space<vmem>>) target_semaphore(%run_scoped3A : memref<!tpu.dma_semaphore, #tpu.memory_space<semaphore_mem>>)
      %dma_wait3A = arith.constant 0 : i32
      %dma_wait3A_26 = tpu.memref_slice %arg3[%select_n3A_8, %dma_wait3A] : memref<2560x128xi32, #tpu.memory_space<hbm>> -> memref<96x128xi32, #tpu.memory_space<hbm>>
      %dma_wait3A_27 = arith.constant 0 : i32
      %dma_wait3A_28 = tpu.memref_slice %arg3[%select_n3A_8, %dma_wait3A_27] : memref<2560x128xi32, #tpu.memory_space<hbm>> -> memref<96x128xi32, #tpu.memory_space<hbm>>
      tpu.wait_dma2 semaphore(%run_scoped3A : memref<!tpu.dma_semaphore, #tpu.memory_space<semaphore_mem>>) src(%dma_wait3A_28 : memref<96x128xi32, #tpu.memory_space<hbm>>) dst(%arg7 : memref<96x128xi32, #tpu.memory_space<vmem>>)
      tpu.yield
    }) : () -> ()
    "tpu.region"() ({
      %run_scoped3A = tpu.sem_alloc : memref<!tpu.dma_semaphore, #tpu.memory_space<semaphore_mem>>
      %dma_start3A = arith.constant 0 : i32
      %dma_start3A_23 = tpu.memref_slice %arg4[%select_n3A_8, %dma_start3A] : memref<2560x128xi32, #tpu.memory_space<hbm>> -> memref<96x128xi32, #tpu.memory_space<hbm>>
      %dma_start3A_24 = arith.constant 0 : i32
      %dma_start3A_25 = tpu.memref_slice %arg4[%select_n3A_8, %dma_start3A_24] : memref<2560x128xi32, #tpu.memory_space<hbm>> -> memref<96x128xi32, #tpu.memory_space<hbm>>
      tpu.enqueue_dma source(%dma_start3A_25 : memref<96x128xi32, #tpu.memory_space<hbm>>) target(%arg8 : memref<96x128xi32, #tpu.memory_space<vmem>>) target_semaphore(%run_scoped3A : memref<!tpu.dma_semaphore, #tpu.memory_space<semaphore_mem>>)
      %dma_wait3A = arith.constant 0 : i32
      %dma_wait3A_26 = tpu.memref_slice %arg4[%select_n3A_8, %dma_wait3A] : memref<2560x128xi32, #tpu.memory_space<hbm>> -> memref<96x128xi32, #tpu.memory_space<hbm>>
      %dma_wait3A_27 = arith.constant 0 : i32
      %dma_wait3A_28 = tpu.memref_slice %arg4[%select_n3A_8, %dma_wait3A_27] : memref<2560x128xi32, #tpu.memory_space<hbm>> -> memref<96x128xi32, #tpu.memory_space<hbm>>
      tpu.wait_dma2 semaphore(%run_scoped3A : memref<!tpu.dma_semaphore, #tpu.memory_space<semaphore_mem>>) src(%dma_wait3A_28 : memref<96x128xi32, #tpu.memory_space<hbm>>) dst(%arg8 : memref<96x128xi32, #tpu.memory_space<vmem>>)
      tpu.yield
    }) : () -> ()
    %mul3A_9 = arith.constant 632 : i32
    %mul3A_10 = arith.muli %arg1, %mul3A_9 : i32
    %mul3A_11 = arith.constant 632 : i32
    %mul3A_12 = arith.muli %arg1, %mul3A_11 : i32
    "tpu.region"() ({
      %run_scoped3A = tpu.sem_alloc : memref<!tpu.dma_semaphore, #tpu.memory_space<semaphore_mem>>
      %dma_start3A = arith.constant 0 : i32
      %dma_start3A_23 = tpu.memref_slice %arg10[%mul3A_12, %dma_start3A] : memref<10112x128xf32, #tpu.memory_space<vmem_shared>> -> memref<632x128xf32, #tpu.memory_space<vmem_shared>>
      %dma_start3A_24 = arith.constant 0 : i32
      %dma_start3A_25 = tpu.memref_slice %arg5[%mul3A_10, %dma_start3A_24] : memref<10112x128xf32, #tpu.memory_space<hbm>> -> memref<632x128xf32, #tpu.memory_space<hbm>>
      tpu.enqueue_dma source(%dma_start3A_25 : memref<632x128xf32, #tpu.memory_space<hbm>>) target(%dma_start3A_23 : memref<632x128xf32, #tpu.memory_space<vmem_shared>>) target_semaphore(%run_scoped3A : memref<!tpu.dma_semaphore, #tpu.memory_space<semaphore_mem>>)
      %dma_wait3A = arith.constant 0 : i32
      %dma_wait3A_26 = tpu.memref_slice %arg10[%mul3A_12, %dma_wait3A] : memref<10112x128xf32, #tpu.memory_space<vmem_shared>> -> memref<632x128xf32, #tpu.memory_space<vmem_shared>>
      %dma_wait3A_27 = arith.constant 0 : i32
      %dma_wait3A_28 = tpu.memref_slice %arg5[%mul3A_10, %dma_wait3A_27] : memref<10112x128xf32, #tpu.memory_space<hbm>> -> memref<632x128xf32, #tpu.memory_space<hbm>>
      tpu.wait_dma2 semaphore(%run_scoped3A : memref<!tpu.dma_semaphore, #tpu.memory_space<semaphore_mem>>) src(%dma_wait3A_28 : memref<632x128xf32, #tpu.memory_space<hbm>>) dst(%dma_wait3A_26 : memref<632x128xf32, #tpu.memory_space<vmem_shared>>)
      tpu.yield
    }) : () -> ()
    %barrier3A = arith.constant 0 : index
    tpu.barrier barrier_id(%barrier3A)
    %scan3A = arith.constant 0 : i32
    %scan3A_13 = arith.constant 0 : i32
    %scan3A_14 = arith.constant 96 : i32
    %scan3A_15 = arith.addi %scan3A_13, %scan3A_14 : i32
    %scan3A_16 = arith.constant 1 : i32
    scf.for %scan3A_23 = %scan3A_13 to %scan3A_15 step %scan3A_16  : i32 {
      %lt3A = arith.cmpi slt, %scan3A_23, %select_n3A : i32
      %convert_element_type3A = arith.extui %lt3A : i1 to i32
      %cond3A = arith.constant 0 : i32
      %cond3A_24 = arith.cmpi ne, %convert_element_type3A, %cond3A : i32
      scf.if %cond3A_24 {
        %dma_start3A = arith.constant 0 : i32
        %dma_start3A_25 = tpu.memref_slice %arg7[%scan3A_23, %dma_start3A] : memref<96x128xi32, #tpu.memory_space<vmem>> -> memref<1x128xi32, #tpu.memory_space<vmem>>
        %dma_start3A_26 = tpu.memref_squeeze %dma_start3A_25 : memref<1x128xi32, #tpu.memory_space<vmem>> -> memref<128xi32, #tpu.memory_space<vmem>>
        %dma_start3A_27 = arith.constant 0 : i32
        %dma_start3A_28 = arith.constant 0 : i32
        %dma_start3A_29 = tpu.memref_slice %arg2[%dma_start3A_27, %dma_start3A_28] : memref<10000x128xf32, #tpu.memory_space<hbm>> -> memref<10000x128xf32, #tpu.memory_space<hbm>>
        tpu.enqueue_indirect_dma source(%dma_start3A_29 : memref<10000x128xf32, #tpu.memory_space<hbm>>) target(%arg9 : memref<128x128xf32, #tpu.memory_space<vmem>>) offsets(%dma_start3A_26 : memref<128xi32, #tpu.memory_space<vmem>>) semaphore(%arg11 : memref<!tpu.dma_semaphore, #tpu.memory_space<semaphore_mem>>)
        %dma_wait3A = arith.constant 0 : i32
        %dma_wait3A_30 = tpu.memref_slice %arg7[%scan3A_23, %dma_wait3A] : memref<96x128xi32, #tpu.memory_space<vmem>> -> memref<1x128xi32, #tpu.memory_space<vmem>>
        %dma_wait3A_31 = tpu.memref_squeeze %dma_wait3A_30 : memref<1x128xi32, #tpu.memory_space<vmem>> -> memref<128xi32, #tpu.memory_space<vmem>>
        %dma_wait3A_32 = arith.constant 0 : i32
        %dma_wait3A_33 = arith.constant 0 : i32
        %dma_wait3A_34 = tpu.memref_slice %arg2[%dma_wait3A_32, %dma_wait3A_33] : memref<10000x128xf32, #tpu.memory_space<hbm>> -> memref<10000x128xf32, #tpu.memory_space<hbm>>
        tpu.wait_indirect_dma semaphore(%arg11 : memref<!tpu.dma_semaphore, #tpu.memory_space<semaphore_mem>>) src(%dma_wait3A_34 : memref<10000x128xf32, #tpu.memory_space<hbm>>) dst(%arg9 : memref<128x128xf32, #tpu.memory_space<vmem>>)
        "tpu.region"() ({
          %run_scoped3A = tpu.sem_alloc : memref<!tpu.dma_semaphore, #tpu.memory_space<semaphore_mem>>
          %dma_start3A_35 = arith.constant 0 : i32
          %dma_start3A_36 = tpu.memref_slice %arg8[%scan3A_23, %dma_start3A_35] : memref<96x128xi32, #tpu.memory_space<vmem>> -> memref<1x128xi32, #tpu.memory_space<vmem>>
          %dma_start3A_37 = tpu.memref_squeeze %dma_start3A_36 : memref<1x128xi32, #tpu.memory_space<vmem>> -> memref<128xi32, #tpu.memory_space<vmem>>
          %dma_start3A_38 = arith.constant 0 : i32
          %dma_start3A_39 = arith.constant 0 : i32
          %dma_start3A_40 = tpu.memref_slice %arg10[%dma_start3A_38, %dma_start3A_39] : memref<10112x128xf32, #tpu.memory_space<vmem_shared>> -> memref<10112x128xf32, #tpu.memory_space<vmem_shared>>
          tpu.enqueue_indirect_dma source(%arg9 : memref<128x128xf32, #tpu.memory_space<vmem>>) target(%dma_start3A_40 : memref<10112x128xf32, #tpu.memory_space<vmem_shared>>) offsets(%dma_start3A_37 : memref<128xi32, #tpu.memory_space<vmem>>) semaphore(%run_scoped3A : memref<!tpu.dma_semaphore, #tpu.memory_space<semaphore_mem>>) {add = true}
          %dma_wait3A_41 = arith.constant 0 : i32
          %dma_wait3A_42 = tpu.memref_slice %arg8[%scan3A_23, %dma_wait3A_41] : memref<96x128xi32, #tpu.memory_space<vmem>> -> memref<1x128xi32, #tpu.memory_space<vmem>>
          %dma_wait3A_43 = tpu.memref_squeeze %dma_wait3A_42 : memref<1x128xi32, #tpu.memory_space<vmem>> -> memref<128xi32, #tpu.memory_space<vmem>>
          %dma_wait3A_44 = arith.constant 0 : i32
          %dma_wait3A_45 = arith.constant 0 : i32
          %dma_wait3A_46 = tpu.memref_slice %arg10[%dma_wait3A_44, %dma_wait3A_45] : memref<10112x128xf32, #tpu.memory_space<vmem_shared>> -> memref<10112x128xf32, #tpu.memory_space<vmem_shared>>
          tpu.wait_indirect_dma semaphore(%run_scoped3A : memref<!tpu.dma_semaphore, #tpu.memory_space<semaphore_mem>>) src(%arg9 : memref<128x128xf32, #tpu.memory_space<vmem>>) dst(%dma_wait3A_46 : memref<10112x128xf32, #tpu.memory_space<vmem_shared>>)
          tpu.yield
        }) : () -> ()
      } else {
      }
    }
    %scan3A_17 = arith.constant 96 : i32
    %barrier3A_18 = arith.constant 0 : index
    tpu.barrier barrier_id(%barrier3A_18)
    %mul3A_19 = arith.constant 632 : i32
    %mul3A_20 = arith.muli %arg1, %mul3A_19 : i32
    %mul3A_21 = arith.constant 632 : i32
    %mul3A_22 = arith.muli %arg1, %mul3A_21 : i32
    "tpu.region"() ({
      %run_scoped3A = tpu.sem_alloc : memref<!tpu.dma_semaphore, #tpu.memory_space<semaphore_mem>>
      %dma_start3A = arith.constant 0 : i32
      %dma_start3A_23 = tpu.memref_slice %arg6[%arg0, %mul3A_22, %dma_start3A] : memref<2x10112x128xf32, #tpu.memory_space<hbm>> -> memref<1x632x128xf32, #tpu.memory_space<hbm>>
      %dma_start3A_24 = tpu.memref_squeeze %dma_start3A_23 : memref<1x632x128xf32, #tpu.memory_space<hbm>> -> memref<632x128xf32, #tpu.memory_space<hbm>>
      %dma_start3A_25 = arith.constant 0 : i32
      %dma_start3A_26 = tpu.memref_slice %arg10[%mul3A_20, %dma_start3A_25] : memref<10112x128xf32, #tpu.memory_space<vmem_shared>> -> memref<632x128xf32, #tpu.memory_space<vmem_shared>>
      tpu.enqueue_dma source(%dma_start3A_26 : memref<632x128xf32, #tpu.memory_space<vmem_shared>>) target(%dma_start3A_24 : memref<632x128xf32, #tpu.memory_space<hbm>>) target_semaphore(%run_scoped3A : memref<!tpu.dma_semaphore, #tpu.memory_space<semaphore_mem>>)
      %dma_wait3A = arith.constant 0 : i32
      %dma_wait3A_27 = tpu.memref_slice %arg6[%arg0, %mul3A_22, %dma_wait3A] : memref<2x10112x128xf32, #tpu.memory_space<hbm>> -> memref<1x632x128xf32, #tpu.memory_space<hbm>>
      %dma_wait3A_28 = tpu.memref_squeeze %dma_wait3A_27 : memref<1x632x128xf32, #tpu.memory_space<hbm>> -> memref<632x128xf32, #tpu.memory_space<hbm>>
      %dma_wait3A_29 = arith.constant 0 : i32
      %dma_wait3A_30 = tpu.memref_slice %arg10[%mul3A_20, %dma_wait3A_29] : memref<10112x128xf32, #tpu.memory_space<vmem_shared>> -> memref<632x128xf32, #tpu.memory_space<vmem_shared>>
      tpu.wait_dma2 semaphore(%run_scoped3A : memref<!tpu.dma_semaphore, #tpu.memory_space<semaphore_mem>>) src(%dma_wait3A_30 : memref<632x128xf32, #tpu.memory_space<vmem_shared>>) dst(%dma_wait3A_28 : memref<632x128xf32, #tpu.memory_space<hbm>>)
      tpu.yield
    }) : () -> ()
    return
  }
}

#map = affine_map<(d0, d1) -> (0, 0)>
#map1 = affine_map<(d0, d1) -> (0, 0, 0)>
module attributes {stable_mosaic.version = 14 : i64} {
  func.func @body(%arg0: i32, %arg1: i32, %arg2: memref<2560x128xi32, #tpu.memory_space<hbm>>, %arg3: memref<2x16x10240xf32, #tpu.memory_space<hbm>>, %arg4: memref<96x128xi32, #tpu.memory_space<vmem>>, %arg5: memref<10240xf32, #tpu.memory_space<vmem>>, %arg6: memref<!tpu.dma_semaphore, #tpu.memory_space<semaphore_mem>>) attributes {dimension_semantics = [#tpu.dimension_semantics<core_parallel>, #tpu.dimension_semantics<subcore_parallel>], iteration_bounds = array<i64: 2, 16>, scalar_prefetch = 0 : i64, scratch_operands = 3 : i64, tpu.core_type = #tpu.core_type<sc_vector_subcore>, window_params = [{transform_indices = #map}, {transform_indices = #map1}]} {
    %eq3A = arith.constant 0 : i32
    %eq3A_0 = arith.cmpi eq, %arg0, %eq3A : i32
    %jit3A = arith.constant 96 : i32
    %jit3A_1 = arith.constant 61 : i32
    %select_n3A = arith.select %eq3A_0, %jit3A, %jit3A_1 : i32
    %eq3A_2 = arith.constant 0 : i32
    %eq3A_3 = arith.cmpi eq, %arg0, %eq3A_2 : i32
    %mul3A = arith.constant 96 : i32
    %mul3A_4 = arith.muli %arg1, %mul3A : i32
    %mul3A_5 = arith.constant 61 : i32
    %mul3A_6 = arith.muli %arg1, %mul3A_5 : i32
    %add3A = arith.constant 1536 : i32
    %add3A_7 = arith.addi %add3A, %mul3A_6 : i32
    %select_n3A_8 = arith.select %eq3A_3, %mul3A_4, %add3A_7 : i32
    %dma_start3A = arith.constant 0 : i32
    %dma_start3A_9 = tpu.memref_slice %arg2[%select_n3A_8, %dma_start3A] : memref<2560x128xi32, #tpu.memory_space<hbm>> -> memref<96x128xi32, #tpu.memory_space<hbm>>
    %dma_start3A_10 = arith.constant 0 : i32
    %dma_start3A_11 = tpu.memref_slice %arg2[%select_n3A_8, %dma_start3A_10] : memref<2560x128xi32, #tpu.memory_space<hbm>> -> memref<96x128xi32, #tpu.memory_space<hbm>>
    tpu.enqueue_dma source(%dma_start3A_11 : memref<96x128xi32, #tpu.memory_space<hbm>>) target(%arg4 : memref<96x128xi32, #tpu.memory_space<vmem>>) target_semaphore(%arg6 : memref<!tpu.dma_semaphore, #tpu.memory_space<semaphore_mem>>)
    %scan3A = arith.constant 0 : i32
    %scan3A_12 = arith.constant 0 : i32
    %scan3A_13 = arith.constant 640 : i32
    %scan3A_14 = arith.addi %scan3A_12, %scan3A_13 : i32
    %scan3A_15 = arith.constant 1 : i32
    scf.for %scan3A_27 = %scan3A_12 to %scan3A_14 step %scan3A_15  : i32 {
      %broadcast_in_dim3A_28 = arith.constant 0.000000e+00 : f32
      %broadcast_in_dim3A_29 = vector.broadcast %broadcast_in_dim3A_28 : f32 to vector<16xf32>
      %mul3A_30 = arith.constant 16 : i32
      %mul3A_31 = arith.muli %scan3A_27, %mul3A_30 : i32
      %swap3A = arith.index_cast %mul3A_31 : i32 to index
      %swap3A_32 = tpu.vector_load %arg5[%swap3A] {strides = array<i32>} : memref<10240xf32, #tpu.memory_space<vmem>>, vector<16xf32>,
      tpu.vector_store %arg5[%swap3A], %broadcast_in_dim3A_29 {strides = array<i32>} : memref<10240xf32, #tpu.memory_space<vmem>>, vector<16xf32>,
    }
    %scan3A_16 = arith.constant 640 : i32
    %dma_wait3A = arith.constant 0 : i32
    %dma_wait3A_17 = tpu.memref_slice %arg2[%select_n3A_8, %dma_wait3A] : memref<2560x128xi32, #tpu.memory_space<hbm>> -> memref<96x128xi32, #tpu.memory_space<hbm>>
    %dma_wait3A_18 = arith.constant 0 : i32
    %dma_wait3A_19 = tpu.memref_slice %arg2[%select_n3A_8, %dma_wait3A_18] : memref<2560x128xi32, #tpu.memory_space<hbm>> -> memref<96x128xi32, #tpu.memory_space<hbm>>
    tpu.wait_dma2 semaphore(%arg6 : memref<!tpu.dma_semaphore, #tpu.memory_space<semaphore_mem>>) src(%dma_wait3A_19 : memref<96x128xi32, #tpu.memory_space<hbm>>) dst(%arg4 : memref<96x128xi32, #tpu.memory_space<vmem>>)
    %broadcast_in_dim3A = arith.constant 1.000000e+00 : f32
    %broadcast_in_dim3A_20 = vector.broadcast %broadcast_in_dim3A : f32 to vector<16xf32>
    %scan3A_21 = arith.constant 0 : i32
    %scan3A_22 = arith.constant 0 : i32
    %scan3A_23 = arith.constant 96 : i32
    %scan3A_24 = arith.addi %scan3A_22, %scan3A_23 : i32
    %scan3A_25 = arith.constant 1 : i32
    scf.for %scan3A_27 = %scan3A_22 to %scan3A_24 step %scan3A_25  : i32 {
      %lt3A = arith.cmpi slt, %scan3A_27, %select_n3A : i32
      %convert_element_type3A = arith.extui %lt3A : i1 to i32
      %cond3A = arith.constant 0 : i32
      %cond3A_28 = arith.cmpi ne, %convert_element_type3A, %cond3A : i32
      scf.if %cond3A_28 {
        %get3A = arith.index_cast %scan3A_27 : i32 to index
        %get3A_29 = arith.constant 0 : index
        %get3A_30 = tpu.vector_load %arg4[%get3A, %get3A_29] {strides = array<i32>} : memref<96x128xi32, #tpu.memory_space<vmem>>, vector<16xi32>,
        tpu.vector_store_idx %arg5[%get3A_30], %broadcast_in_dim3A_20 {add = true} : memref<10240xf32, #tpu.memory_space<vmem>>[vector<16xi32>], vector<16xf32>,
        %get3A_31 = arith.index_cast %scan3A_27 : i32 to index
        %get3A_32 = arith.constant 16 : index
        %get3A_33 = tpu.vector_load %arg4[%get3A_31, %get3A_32] {strides = array<i32>} : memref<96x128xi32, #tpu.memory_space<vmem>>, vector<16xi32>,
        tpu.vector_store_idx %arg5[%get3A_33], %broadcast_in_dim3A_20 {add = true} : memref<10240xf32, #tpu.memory_space<vmem>>[vector<16xi32>], vector<16xf32>,
        %get3A_34 = arith.index_cast %scan3A_27 : i32 to index
        %get3A_35 = arith.constant 32 : index
        %get3A_36 = tpu.vector_load %arg4[%get3A_34, %get3A_35] {strides = array<i32>} : memref<96x128xi32, #tpu.memory_space<vmem>>, vector<16xi32>,
        tpu.vector_store_idx %arg5[%get3A_36], %broadcast_in_dim3A_20 {add = true} : memref<10240xf32, #tpu.memory_space<vmem>>[vector<16xi32>], vector<16xf32>,
        %get3A_37 = arith.index_cast %scan3A_27 : i32 to index
        %get3A_38 = arith.constant 48 : index
        %get3A_39 = tpu.vector_load %arg4[%get3A_37, %get3A_38] {strides = array<i32>} : memref<96x128xi32, #tpu.memory_space<vmem>>, vector<16xi32>,
        tpu.vector_store_idx %arg5[%get3A_39], %broadcast_in_dim3A_20 {add = true} : memref<10240xf32, #tpu.memory_space<vmem>>[vector<16xi32>], vector<16xf32>,
        %get3A_40 = arith.index_cast %scan3A_27 : i32 to index
        %get3A_41 = arith.constant 64 : index
        %get3A_42 = tpu.vector_load %arg4[%get3A_40, %get3A_41] {strides = array<i32>} : memref<96x128xi32, #tpu.memory_space<vmem>>, vector<16xi32>,
        tpu.vector_store_idx %arg5[%get3A_42], %broadcast_in_dim3A_20 {add = true} : memref<10240xf32, #tpu.memory_space<vmem>>[vector<16xi32>], vector<16xf32>,
        %get3A_43 = arith.index_cast %scan3A_27 : i32 to index
        %get3A_44 = arith.constant 80 : index
        %get3A_45 = tpu.vector_load %arg4[%get3A_43, %get3A_44] {strides = array<i32>} : memref<96x128xi32, #tpu.memory_space<vmem>>, vector<16xi32>,
        tpu.vector_store_idx %arg5[%get3A_45], %broadcast_in_dim3A_20 {add = true} : memref<10240xf32, #tpu.memory_space<vmem>>[vector<16xi32>], vector<16xf32>,
        %get3A_46 = arith.index_cast %scan3A_27 : i32 to index
        %get3A_47 = arith.constant 96 : index
        %get3A_48 = tpu.vector_load %arg4[%get3A_46, %get3A_47] {strides = array<i32>} : memref<96x128xi32, #tpu.memory_space<vmem>>, vector<16xi32>,
        tpu.vector_store_idx %arg5[%get3A_48], %broadcast_in_dim3A_20 {add = true} : memref<10240xf32, #tpu.memory_space<vmem>>[vector<16xi32>], vector<16xf32>,
        %get3A_49 = arith.index_cast %scan3A_27 : i32 to index
        %get3A_50 = arith.constant 112 : index
        %get3A_51 = tpu.vector_load %arg4[%get3A_49, %get3A_50] {strides = array<i32>} : memref<96x128xi32, #tpu.memory_space<vmem>>, vector<16xi32>,
        tpu.vector_store_idx %arg5[%get3A_51], %broadcast_in_dim3A_20 {add = true} : memref<10240xf32, #tpu.memory_space<vmem>>[vector<16xi32>], vector<16xf32>,
      } else {
      }
    }
    %scan3A_26 = arith.constant 96 : i32
    "tpu.region"() ({
      %run_scoped3A = tpu.sem_alloc : memref<!tpu.dma_semaphore, #tpu.memory_space<semaphore_mem>>
      %dma_start3A_27 = arith.constant 0 : i32
      %dma_start3A_28 = tpu.memref_slice %arg3[%arg0, %arg1, %dma_start3A_27] : memref<2x16x10240xf32, #tpu.memory_space<hbm>> -> memref<1x1x10240xf32, #tpu.memory_space<hbm>>
      %dma_start3A_29 = tpu.memref_squeeze %dma_start3A_28 : memref<1x1x10240xf32, #tpu.memory_space<hbm>> -> memref<10240xf32, #tpu.memory_space<hbm>>
      %dma_start3A_30 = arith.constant 0 : i32
      %dma_start3A_31 = tpu.memref_slice %arg3[%arg0, %arg1, %dma_start3A_30] : memref<2x16x10240xf32, #tpu.memory_space<hbm>> -> memref<1x1x10240xf32, #tpu.memory_space<hbm>>
      %dma_start3A_32 = tpu.memref_squeeze %dma_start3A_31 : memref<1x1x10240xf32, #tpu.memory_space<hbm>> -> memref<10240xf32, #tpu.memory_space<hbm>>
      tpu.enqueue_dma source(%arg5 : memref<10240xf32, #tpu.memory_space<vmem>>) target(%dma_start3A_32 : memref<10240xf32, #tpu.memory_space<hbm>>) target_semaphore(%run_scoped3A : memref<!tpu.dma_semaphore, #tpu.memory_space<semaphore_mem>>)
      %dma_wait3A_33 = arith.constant 0 : i32
      %dma_wait3A_34 = tpu.memref_slice %arg3[%arg0, %arg1, %dma_wait3A_33] : memref<2x16x10240xf32, #tpu.memory_space<hbm>> -> memref<1x1x10240xf32, #tpu.memory_space<hbm>>
      %dma_wait3A_35 = tpu.memref_squeeze %dma_wait3A_34 : memref<1x1x10240xf32, #tpu.memory_space<hbm>> -> memref<10240xf32, #tpu.memory_space<hbm>>
      %dma_wait3A_36 = arith.constant 0 : i32
      %dma_wait3A_37 = tpu.memref_slice %arg3[%arg0, %arg1, %dma_wait3A_36] : memref<2x16x10240xf32, #tpu.memory_space<hbm>> -> memref<1x1x10240xf32, #tpu.memory_space<hbm>>
      %dma_wait3A_38 = tpu.memref_squeeze %dma_wait3A_37 : memref<1x1x10240xf32, #tpu.memory_space<hbm>> -> memref<10240xf32, #tpu.memory_space<hbm>>
      tpu.wait_dma2 semaphore(%run_scoped3A : memref<!tpu.dma_semaphore, #tpu.memory_space<semaphore_mem>>) src(%arg5 : memref<10240xf32, #tpu.memory_space<vmem>>) dst(%dma_wait3A_38 : memref<10240xf32, #tpu.memory_space<hbm>>)
      tpu.yield
    }) : () -> ()
    return
  }
}

#map = affine_map<(d0, d1) -> (0, 0)>
#map1 = affine_map<(d0, d1) -> (0, 0, 0)>
module attributes {stable_mosaic.version = 14 : i64} {
  func.func @body(%arg0: i32, %arg1: i32, %arg2: memref<10000x128xf32, #tpu.memory_space<hbm>>, %arg3: memref<2560x128xi32, #tpu.memory_space<hbm>>, %arg4: memref<2560x128xi32, #tpu.memory_space<hbm>>, %arg5: memref<10112x128xf32, #tpu.memory_space<hbm>>, %arg6: memref<2x10112x128xf32, #tpu.memory_space<hbm>>, %arg7: memref<96x128xi32, #tpu.memory_space<vmem>>, %arg8: memref<96x128xi32, #tpu.memory_space<vmem>>, %arg9: memref<128x128xf32, #tpu.memory_space<vmem>>, %arg10: memref<10112x128xf32, #tpu.memory_space<vmem_shared>>, %arg11: memref<!tpu.dma_semaphore, #tpu.memory_space<semaphore_mem>>) attributes {dimension_semantics = [#tpu.dimension_semantics<core_parallel>, #tpu.dimension_semantics<subcore_parallel>], iteration_bounds = array<i64: 2, 16>, scalar_prefetch = 0 : i64, scratch_operands = 5 : i64, tpu.core_type = #tpu.core_type<sc_vector_subcore>, window_params = [{transform_indices = #map}, {transform_indices = #map}, {transform_indices = #map}, {transform_indices = #map}, {transform_indices = #map1}]} {
    %eq3A = arith.constant 0 : i32
    %eq3A_0 = arith.cmpi eq, %arg0, %eq3A : i32
    %jit3A = arith.constant 96 : i32
    %jit3A_1 = arith.constant 61 : i32
    %select_n3A = arith.select %eq3A_0, %jit3A, %jit3A_1 : i32
    %eq3A_2 = arith.constant 0 : i32
    %eq3A_3 = arith.cmpi eq, %arg0, %eq3A_2 : i32
    %mul3A = arith.constant 96 : i32
    %mul3A_4 = arith.muli %arg1, %mul3A : i32
    %mul3A_5 = arith.constant 61 : i32
    %mul3A_6 = arith.muli %arg1, %mul3A_5 : i32
    %add3A = arith.constant 1536 : i32
    %add3A_7 = arith.addi %add3A, %mul3A_6 : i32
    %select_n3A_8 = arith.select %eq3A_3, %mul3A_4, %add3A_7 : i32
    "tpu.region"() ({
      %run_scoped3A = tpu.sem_alloc : memref<!tpu.dma_semaphore, #tpu.memory_space<semaphore_mem>>
      %dma_start3A = arith.constant 0 : i32
      %dma_start3A_23 = tpu.memref_slice %arg3[%select_n3A_8, %dma_start3A] : memref<2560x128xi32, #tpu.memory_space<hbm>> -> memref<96x128xi32, #tpu.memory_space<hbm>>
      %dma_start3A_24 = arith.constant 0 : i32
      %dma_start3A_25 = tpu.memref_slice %arg3[%select_n3A_8, %dma_start3A_24] : memref<2560x128xi32, #tpu.memory_space<hbm>> -> memref<96x128xi32, #tpu.memory_space<hbm>>
      tpu.enqueue_dma source(%dma_start3A_25 : memref<96x128xi32, #tpu.memory_space<hbm>>) target(%arg7 : memref<96x128xi32, #tpu.memory_space<vmem>>) target_semaphore(%run_scoped3A : memref<!tpu.dma_semaphore, #tpu.memory_space<semaphore_mem>>)
      %dma_wait3A = arith.constant 0 : i32
      %dma_wait3A_26 = tpu.memref_slice %arg3[%select_n3A_8, %dma_wait3A] : memref<2560x128xi32, #tpu.memory_space<hbm>> -> memref<96x128xi32, #tpu.memory_space<hbm>>
      %dma_wait3A_27 = arith.constant 0 : i32
      %dma_wait3A_28 = tpu.memref_slice %arg3[%select_n3A_8, %dma_wait3A_27] : memref<2560x128xi32, #tpu.memory_space<hbm>> -> memref<96x128xi32, #tpu.memory_space<hbm>>
      tpu.wait_dma2 semaphore(%run_scoped3A : memref<!tpu.dma_semaphore, #tpu.memory_space<semaphore_mem>>) src(%dma_wait3A_28 : memref<96x128xi32, #tpu.memory_space<hbm>>) dst(%arg7 : memref<96x128xi32, #tpu.memory_space<vmem>>)
      tpu.yield
    }) : () -> ()
    "tpu.region"() ({
      %run_scoped3A = tpu.sem_alloc : memref<!tpu.dma_semaphore, #tpu.memory_space<semaphore_mem>>
      %dma_start3A = arith.constant 0 : i32
      %dma_start3A_23 = tpu.memref_slice %arg4[%select_n3A_8, %dma_start3A] : memref<2560x128xi32, #tpu.memory_space<hbm>> -> memref<96x128xi32, #tpu.memory_space<hbm>>
      %dma_start3A_24 = arith.constant 0 : i32
      %dma_start3A_25 = tpu.memref_slice %arg4[%select_n3A_8, %dma_start3A_24] : memref<2560x128xi32, #tpu.memory_space<hbm>> -> memref<96x128xi32, #tpu.memory_space<hbm>>
      tpu.enqueue_dma source(%dma_start3A_25 : memref<96x128xi32, #tpu.memory_space<hbm>>) target(%arg8 : memref<96x128xi32, #tpu.memory_space<vmem>>) target_semaphore(%run_scoped3A : memref<!tpu.dma_semaphore, #tpu.memory_space<semaphore_mem>>)
      %dma_wait3A = arith.constant 0 : i32
      %dma_wait3A_26 = tpu.memref_slice %arg4[%select_n3A_8, %dma_wait3A] : memref<2560x128xi32, #tpu.memory_space<hbm>> -> memref<96x128xi32, #tpu.memory_space<hbm>>
      %dma_wait3A_27 = arith.constant 0 : i32
      %dma_wait3A_28 = tpu.memref_slice %arg4[%select_n3A_8, %dma_wait3A_27] : memref<2560x128xi32, #tpu.memory_space<hbm>> -> memref<96x128xi32, #tpu.memory_space<hbm>>
      tpu.wait_dma2 semaphore(%run_scoped3A : memref<!tpu.dma_semaphore, #tpu.memory_space<semaphore_mem>>) src(%dma_wait3A_28 : memref<96x128xi32, #tpu.memory_space<hbm>>) dst(%arg8 : memref<96x128xi32, #tpu.memory_space<vmem>>)
      tpu.yield
    }) : () -> ()
    %mul3A_9 = arith.constant 632 : i32
    %mul3A_10 = arith.muli %arg1, %mul3A_9 : i32
    %mul3A_11 = arith.constant 632 : i32
    %mul3A_12 = arith.muli %arg1, %mul3A_11 : i32
    "tpu.region"() ({
      %run_scoped3A = tpu.sem_alloc : memref<!tpu.dma_semaphore, #tpu.memory_space<semaphore_mem>>
      %dma_start3A = arith.constant 0 : i32
      %dma_start3A_23 = tpu.memref_slice %arg10[%mul3A_12, %dma_start3A] : memref<10112x128xf32, #tpu.memory_space<vmem_shared>> -> memref<632x128xf32, #tpu.memory_space<vmem_shared>>
      %dma_start3A_24 = arith.constant 0 : i32
      %dma_start3A_25 = tpu.memref_slice %arg5[%mul3A_10, %dma_start3A_24] : memref<10112x128xf32, #tpu.memory_space<hbm>> -> memref<632x128xf32, #tpu.memory_space<hbm>>
      tpu.enqueue_dma source(%dma_start3A_25 : memref<632x128xf32, #tpu.memory_space<hbm>>) target(%dma_start3A_23 : memref<632x128xf32, #tpu.memory_space<vmem_shared>>) target_semaphore(%run_scoped3A : memref<!tpu.dma_semaphore, #tpu.memory_space<semaphore_mem>>)
      %dma_wait3A = arith.constant 0 : i32
      %dma_wait3A_26 = tpu.memref_slice %arg10[%mul3A_12, %dma_wait3A] : memref<10112x128xf32, #tpu.memory_space<vmem_shared>> -> memref<632x128xf32, #tpu.memory_space<vmem_shared>>
      %dma_wait3A_27 = arith.constant 0 : i32
      %dma_wait3A_28 = tpu.memref_slice %arg5[%mul3A_10, %dma_wait3A_27] : memref<10112x128xf32, #tpu.memory_space<hbm>> -> memref<632x128xf32, #tpu.memory_space<hbm>>
      tpu.wait_dma2 semaphore(%run_scoped3A : memref<!tpu.dma_semaphore, #tpu.memory_space<semaphore_mem>>) src(%dma_wait3A_28 : memref<632x128xf32, #tpu.memory_space<hbm>>) dst(%dma_wait3A_26 : memref<632x128xf32, #tpu.memory_space<vmem_shared>>)
      tpu.yield
    }) : () -> ()
    %barrier3A = arith.constant 0 : index
    tpu.barrier barrier_id(%barrier3A)
    %scan3A = arith.constant 0 : i32
    %scan3A_13 = arith.constant 0 : i32
    %scan3A_14 = arith.constant 96 : i32
    %scan3A_15 = arith.addi %scan3A_13, %scan3A_14 : i32
    %scan3A_16 = arith.constant 1 : i32
    scf.for %scan3A_23 = %scan3A_13 to %scan3A_15 step %scan3A_16  : i32 {
      %lt3A = arith.cmpi slt, %scan3A_23, %select_n3A : i32
      %convert_element_type3A = arith.extui %lt3A : i1 to i32
      %cond3A = arith.constant 0 : i32
      %cond3A_24 = arith.cmpi ne, %convert_element_type3A, %cond3A : i32
      scf.if %cond3A_24 {
        %dma_start3A = arith.constant 0 : i32
        %dma_start3A_25 = tpu.memref_slice %arg7[%scan3A_23, %dma_start3A] : memref<96x128xi32, #tpu.memory_space<vmem>> -> memref<1x128xi32, #tpu.memory_space<vmem>>
        %dma_start3A_26 = tpu.memref_squeeze %dma_start3A_25 : memref<1x128xi32, #tpu.memory_space<vmem>> -> memref<128xi32, #tpu.memory_space<vmem>>
        %dma_start3A_27 = arith.constant 0 : i32
        %dma_start3A_28 = arith.constant 0 : i32
        %dma_start3A_29 = tpu.memref_slice %arg2[%dma_start3A_27, %dma_start3A_28] : memref<10000x128xf32, #tpu.memory_space<hbm>> -> memref<10000x128xf32, #tpu.memory_space<hbm>>
        tpu.enqueue_indirect_dma source(%dma_start3A_29 : memref<10000x128xf32, #tpu.memory_space<hbm>>) target(%arg9 : memref<128x128xf32, #tpu.memory_space<vmem>>) offsets(%dma_start3A_26 : memref<128xi32, #tpu.memory_space<vmem>>) semaphore(%arg11 : memref<!tpu.dma_semaphore, #tpu.memory_space<semaphore_mem>>)
        %dma_wait3A = arith.constant 0 : i32
        %dma_wait3A_30 = tpu.memref_slice %arg7[%scan3A_23, %dma_wait3A] : memref<96x128xi32, #tpu.memory_space<vmem>> -> memref<1x128xi32, #tpu.memory_space<vmem>>
        %dma_wait3A_31 = tpu.memref_squeeze %dma_wait3A_30 : memref<1x128xi32, #tpu.memory_space<vmem>> -> memref<128xi32, #tpu.memory_space<vmem>>
        %dma_wait3A_32 = arith.constant 0 : i32
        %dma_wait3A_33 = arith.constant 0 : i32
        %dma_wait3A_34 = tpu.memref_slice %arg2[%dma_wait3A_32, %dma_wait3A_33] : memref<10000x128xf32, #tpu.memory_space<hbm>> -> memref<10000x128xf32, #tpu.memory_space<hbm>>
        tpu.wait_indirect_dma semaphore(%arg11 : memref<!tpu.dma_semaphore, #tpu.memory_space<semaphore_mem>>) src(%dma_wait3A_34 : memref<10000x128xf32, #tpu.memory_space<hbm>>) dst(%arg9 : memref<128x128xf32, #tpu.memory_space<vmem>>)
        "tpu.region"() ({
          %run_scoped3A = tpu.sem_alloc : memref<!tpu.dma_semaphore, #tpu.memory_space<semaphore_mem>>
          %dma_start3A_35 = arith.constant 0 : i32
          %dma_start3A_36 = tpu.memref_slice %arg8[%scan3A_23, %dma_start3A_35] : memref<96x128xi32, #tpu.memory_space<vmem>> -> memref<1x128xi32, #tpu.memory_space<vmem>>
          %dma_start3A_37 = tpu.memref_squeeze %dma_start3A_36 : memref<1x128xi32, #tpu.memory_space<vmem>> -> memref<128xi32, #tpu.memory_space<vmem>>
          %dma_start3A_38 = arith.constant 0 : i32
          %dma_start3A_39 = arith.constant 0 : i32
          %dma_start3A_40 = tpu.memref_slice %arg10[%dma_start3A_38, %dma_start3A_39] : memref<10112x128xf32, #tpu.memory_space<vmem_shared>> -> memref<10112x128xf32, #tpu.memory_space<vmem_shared>>
          tpu.enqueue_indirect_dma source(%arg9 : memref<128x128xf32, #tpu.memory_space<vmem>>) target(%dma_start3A_40 : memref<10112x128xf32, #tpu.memory_space<vmem_shared>>) offsets(%dma_start3A_37 : memref<128xi32, #tpu.memory_space<vmem>>) semaphore(%run_scoped3A : memref<!tpu.dma_semaphore, #tpu.memory_space<semaphore_mem>>) {add = true}
          %dma_wait3A_41 = arith.constant 0 : i32
          %dma_wait3A_42 = tpu.memref_slice %arg8[%scan3A_23, %dma_wait3A_41] : memref<96x128xi32, #tpu.memory_space<vmem>> -> memref<1x128xi32, #tpu.memory_space<vmem>>
          %dma_wait3A_43 = tpu.memref_squeeze %dma_wait3A_42 : memref<1x128xi32, #tpu.memory_space<vmem>> -> memref<128xi32, #tpu.memory_space<vmem>>
          %dma_wait3A_44 = arith.constant 0 : i32
          %dma_wait3A_45 = arith.constant 0 : i32
          %dma_wait3A_46 = tpu.memref_slice %arg10[%dma_wait3A_44, %dma_wait3A_45] : memref<10112x128xf32, #tpu.memory_space<vmem_shared>> -> memref<10112x128xf32, #tpu.memory_space<vmem_shared>>
          tpu.wait_indirect_dma semaphore(%run_scoped3A : memref<!tpu.dma_semaphore, #tpu.memory_space<semaphore_mem>>) src(%arg9 : memref<128x128xf32, #tpu.memory_space<vmem>>) dst(%dma_wait3A_46 : memref<10112x128xf32, #tpu.memory_space<vmem_shared>>)
          tpu.yield
        }) : () -> ()
      } else {
      }
    }
    %scan3A_17 = arith.constant 96 : i32
    %barrier3A_18 = arith.constant 0 : index
    tpu.barrier barrier_id(%barrier3A_18)
    %mul3A_19 = arith.constant 632 : i32
    %mul3A_20 = arith.muli %arg1, %mul3A_19 : i32
    %mul3A_21 = arith.constant 632 : i32
    %mul3A_22 = arith.muli %arg1, %mul3A_21 : i32
    "tpu.region"() ({
      %run_scoped3A = tpu.sem_alloc : memref<!tpu.dma_semaphore, #tpu.memory_space<semaphore_mem>>
      %dma_start3A = arith.constant 0 : i32
      %dma_start3A_23 = tpu.memref_slice %arg6[%arg0, %mul3A_22, %dma_start3A] : memref<2x10112x128xf32, #tpu.memory_space<hbm>> -> memref<1x632x128xf32, #tpu.memory_space<hbm>>
      %dma_start3A_24 = tpu.memref_squeeze %dma_start3A_23 : memref<1x632x128xf32, #tpu.memory_space<hbm>> -> memref<632x128xf32, #tpu.memory_space<hbm>>
      %dma_start3A_25 = arith.constant 0 : i32
      %dma_start3A_26 = tpu.memref_slice %arg10[%mul3A_20, %dma_start3A_25] : memref<10112x128xf32, #tpu.memory_space<vmem_shared>> -> memref<632x128xf32, #tpu.memory_space<vmem_shared>>
      tpu.enqueue_dma source(%dma_start3A_26 : memref<632x128xf32, #tpu.memory_space<vmem_shared>>) target(%dma_start3A_24 : memref<632x128xf32, #tpu.memory_space<hbm>>) target_semaphore(%run_scoped3A : memref<!tpu.dma_semaphore, #tpu.memory_space<semaphore_mem>>)
      %dma_wait3A = arith.constant 0 : i32
      %dma_wait3A_27 = tpu.memref_slice %arg6[%arg0, %mul3A_22, %dma_wait3A] : memref<2x10112x128xf32, #tpu.memory_space<hbm>> -> memref<1x632x128xf32, #tpu.memory_space<hbm>>
      %dma_wait3A_28 = tpu.memref_squeeze %dma_wait3A_27 : memref<1x632x128xf32, #tpu.memory_space<hbm>> -> memref<632x128xf32, #tpu.memory_space<hbm>>
      %dma_wait3A_29 = arith.constant 0 : i32
      %dma_wait3A_30 = tpu.memref_slice %arg10[%mul3A_20, %dma_wait3A_29] : memref<10112x128xf32, #tpu.memory_space<vmem_shared>> -> memref<632x128xf32, #tpu.memory_space<vmem_shared>>
      tpu.wait_dma2 semaphore(%run_scoped3A : memref<!tpu.dma_semaphore, #tpu.memory_space<semaphore_mem>>) src(%dma_wait3A_30 : memref<632x128xf32, #tpu.memory_space<vmem_shared>>) dst(%dma_wait3A_28 : memref<632x128xf32, #tpu.memory_space<hbm>>)
      tpu.yield
    }) : () -> ()
    return
  }
}

#map = affine_map<(d0, d1) -> (0, 0)>
#map1 = affine_map<(d0, d1) -> (0, 0, 0)>
module attributes {stable_mosaic.version = 14 : i64} {
  func.func @body(%arg0: i32, %arg1: i32, %arg2: memref<10000x32xf32, #tpu.memory_space<hbm>>, %arg3: memref<2560x128xi32, #tpu.memory_space<hbm>>, %arg4: memref<2560x128xi32, #tpu.memory_space<hbm>>, %arg5: memref<10112x32xf32, #tpu.memory_space<hbm>>, %arg6: memref<2x10112x32xf32, #tpu.memory_space<hbm>>, %arg7: memref<96x128xi32, #tpu.memory_space<vmem>>, %arg8: memref<96x128xi32, #tpu.memory_space<vmem>>, %arg9: memref<128x32xf32, #tpu.memory_space<vmem>>, %arg10: memref<10112x32xf32, #tpu.memory_space<vmem_shared>>, %arg11: memref<!tpu.dma_semaphore, #tpu.memory_space<semaphore_mem>>) attributes {dimension_semantics = [#tpu.dimension_semantics<core_parallel>, #tpu.dimension_semantics<subcore_parallel>], iteration_bounds = array<i64: 2, 16>, scalar_prefetch = 0 : i64, scratch_operands = 5 : i64, tpu.core_type = #tpu.core_type<sc_vector_subcore>, window_params = [{transform_indices = #map}, {transform_indices = #map}, {transform_indices = #map}, {transform_indices = #map}, {transform_indices = #map1}]} {
    %eq3A = arith.constant 0 : i32
    %eq3A_0 = arith.cmpi eq, %arg0, %eq3A : i32
    %jit3A = arith.constant 96 : i32
    %jit3A_1 = arith.constant 61 : i32
    %select_n3A = arith.select %eq3A_0, %jit3A, %jit3A_1 : i32
    %eq3A_2 = arith.constant 0 : i32
    %eq3A_3 = arith.cmpi eq, %arg0, %eq3A_2 : i32
    %mul3A = arith.constant 96 : i32
    %mul3A_4 = arith.muli %arg1, %mul3A : i32
    %mul3A_5 = arith.constant 61 : i32
    %mul3A_6 = arith.muli %arg1, %mul3A_5 : i32
    %add3A = arith.constant 1536 : i32
    %add3A_7 = arith.addi %add3A, %mul3A_6 : i32
    %select_n3A_8 = arith.select %eq3A_3, %mul3A_4, %add3A_7 : i32
    "tpu.region"() ({
      %run_scoped3A = tpu.sem_alloc : memref<!tpu.dma_semaphore, #tpu.memory_space<semaphore_mem>>
      %dma_start3A = arith.constant 0 : i32
      %dma_start3A_23 = tpu.memref_slice %arg3[%select_n3A_8, %dma_start3A] : memref<2560x128xi32, #tpu.memory_space<hbm>> -> memref<96x128xi32, #tpu.memory_space<hbm>>
      %dma_start3A_24 = arith.constant 0 : i32
      %dma_start3A_25 = tpu.memref_slice %arg3[%select_n3A_8, %dma_start3A_24] : memref<2560x128xi32, #tpu.memory_space<hbm>> -> memref<96x128xi32, #tpu.memory_space<hbm>>
      tpu.enqueue_dma source(%dma_start3A_25 : memref<96x128xi32, #tpu.memory_space<hbm>>) target(%arg7 : memref<96x128xi32, #tpu.memory_space<vmem>>) target_semaphore(%run_scoped3A : memref<!tpu.dma_semaphore, #tpu.memory_space<semaphore_mem>>)
      %dma_wait3A = arith.constant 0 : i32
      %dma_wait3A_26 = tpu.memref_slice %arg3[%select_n3A_8, %dma_wait3A] : memref<2560x128xi32, #tpu.memory_space<hbm>> -> memref<96x128xi32, #tpu.memory_space<hbm>>
      %dma_wait3A_27 = arith.constant 0 : i32
      %dma_wait3A_28 = tpu.memref_slice %arg3[%select_n3A_8, %dma_wait3A_27] : memref<2560x128xi32, #tpu.memory_space<hbm>> -> memref<96x128xi32, #tpu.memory_space<hbm>>
      tpu.wait_dma2 semaphore(%run_scoped3A : memref<!tpu.dma_semaphore, #tpu.memory_space<semaphore_mem>>) src(%dma_wait3A_28 : memref<96x128xi32, #tpu.memory_space<hbm>>) dst(%arg7 : memref<96x128xi32, #tpu.memory_space<vmem>>)
      tpu.yield
    }) : () -> ()
    "tpu.region"() ({
      %run_scoped3A = tpu.sem_alloc : memref<!tpu.dma_semaphore, #tpu.memory_space<semaphore_mem>>
      %dma_start3A = arith.constant 0 : i32
      %dma_start3A_23 = tpu.memref_slice %arg4[%select_n3A_8, %dma_start3A] : memref<2560x128xi32, #tpu.memory_space<hbm>> -> memref<96x128xi32, #tpu.memory_space<hbm>>
      %dma_start3A_24 = arith.constant 0 : i32
      %dma_start3A_25 = tpu.memref_slice %arg4[%select_n3A_8, %dma_start3A_24] : memref<2560x128xi32, #tpu.memory_space<hbm>> -> memref<96x128xi32, #tpu.memory_space<hbm>>
      tpu.enqueue_dma source(%dma_start3A_25 : memref<96x128xi32, #tpu.memory_space<hbm>>) target(%arg8 : memref<96x128xi32, #tpu.memory_space<vmem>>) target_semaphore(%run_scoped3A : memref<!tpu.dma_semaphore, #tpu.memory_space<semaphore_mem>>)
      %dma_wait3A = arith.constant 0 : i32
      %dma_wait3A_26 = tpu.memref_slice %arg4[%select_n3A_8, %dma_wait3A] : memref<2560x128xi32, #tpu.memory_space<hbm>> -> memref<96x128xi32, #tpu.memory_space<hbm>>
      %dma_wait3A_27 = arith.constant 0 : i32
      %dma_wait3A_28 = tpu.memref_slice %arg4[%select_n3A_8, %dma_wait3A_27] : memref<2560x128xi32, #tpu.memory_space<hbm>> -> memref<96x128xi32, #tpu.memory_space<hbm>>
      tpu.wait_dma2 semaphore(%run_scoped3A : memref<!tpu.dma_semaphore, #tpu.memory_space<semaphore_mem>>) src(%dma_wait3A_28 : memref<96x128xi32, #tpu.memory_space<hbm>>) dst(%arg8 : memref<96x128xi32, #tpu.memory_space<vmem>>)
      tpu.yield
    }) : () -> ()
    %mul3A_9 = arith.constant 632 : i32
    %mul3A_10 = arith.muli %arg1, %mul3A_9 : i32
    %mul3A_11 = arith.constant 632 : i32
    %mul3A_12 = arith.muli %arg1, %mul3A_11 : i32
    "tpu.region"() ({
      %run_scoped3A = tpu.sem_alloc : memref<!tpu.dma_semaphore, #tpu.memory_space<semaphore_mem>>
      %dma_start3A = arith.constant 0 : i32
      %dma_start3A_23 = tpu.memref_slice %arg10[%mul3A_12, %dma_start3A] : memref<10112x32xf32, #tpu.memory_space<vmem_shared>> -> memref<632x32xf32, #tpu.memory_space<vmem_shared>>
      %dma_start3A_24 = arith.constant 0 : i32
      %dma_start3A_25 = tpu.memref_slice %arg5[%mul3A_10, %dma_start3A_24] : memref<10112x32xf32, #tpu.memory_space<hbm>> -> memref<632x32xf32, #tpu.memory_space<hbm>>
      tpu.enqueue_dma source(%dma_start3A_25 : memref<632x32xf32, #tpu.memory_space<hbm>>) target(%dma_start3A_23 : memref<632x32xf32, #tpu.memory_space<vmem_shared>>) target_semaphore(%run_scoped3A : memref<!tpu.dma_semaphore, #tpu.memory_space<semaphore_mem>>)
      %dma_wait3A = arith.constant 0 : i32
      %dma_wait3A_26 = tpu.memref_slice %arg10[%mul3A_12, %dma_wait3A] : memref<10112x32xf32, #tpu.memory_space<vmem_shared>> -> memref<632x32xf32, #tpu.memory_space<vmem_shared>>
      %dma_wait3A_27 = arith.constant 0 : i32
      %dma_wait3A_28 = tpu.memref_slice %arg5[%mul3A_10, %dma_wait3A_27] : memref<10112x32xf32, #tpu.memory_space<hbm>> -> memref<632x32xf32, #tpu.memory_space<hbm>>
      tpu.wait_dma2 semaphore(%run_scoped3A : memref<!tpu.dma_semaphore, #tpu.memory_space<semaphore_mem>>) src(%dma_wait3A_28 : memref<632x32xf32, #tpu.memory_space<hbm>>) dst(%dma_wait3A_26 : memref<632x32xf32, #tpu.memory_space<vmem_shared>>)
      tpu.yield
    }) : () -> ()
    %barrier3A = arith.constant 0 : index
    tpu.barrier barrier_id(%barrier3A)
    %scan3A = arith.constant 0 : i32
    %scan3A_13 = arith.constant 0 : i32
    %scan3A_14 = arith.constant 96 : i32
    %scan3A_15 = arith.addi %scan3A_13, %scan3A_14 : i32
    %scan3A_16 = arith.constant 1 : i32
    scf.for %scan3A_23 = %scan3A_13 to %scan3A_15 step %scan3A_16  : i32 {
      %lt3A = arith.cmpi slt, %scan3A_23, %select_n3A : i32
      %convert_element_type3A = arith.extui %lt3A : i1 to i32
      %cond3A = arith.constant 0 : i32
      %cond3A_24 = arith.cmpi ne, %convert_element_type3A, %cond3A : i32
      scf.if %cond3A_24 {
        %dma_start3A = arith.constant 0 : i32
        %dma_start3A_25 = tpu.memref_slice %arg7[%scan3A_23, %dma_start3A] : memref<96x128xi32, #tpu.memory_space<vmem>> -> memref<1x128xi32, #tpu.memory_space<vmem>>
        %dma_start3A_26 = tpu.memref_squeeze %dma_start3A_25 : memref<1x128xi32, #tpu.memory_space<vmem>> -> memref<128xi32, #tpu.memory_space<vmem>>
        %dma_start3A_27 = arith.constant 0 : i32
        %dma_start3A_28 = arith.constant 0 : i32
        %dma_start3A_29 = tpu.memref_slice %arg2[%dma_start3A_27, %dma_start3A_28] : memref<10000x32xf32, #tpu.memory_space<hbm>> -> memref<10000x32xf32, #tpu.memory_space<hbm>>
        tpu.enqueue_indirect_dma source(%dma_start3A_29 : memref<10000x32xf32, #tpu.memory_space<hbm>>) target(%arg9 : memref<128x32xf32, #tpu.memory_space<vmem>>) offsets(%dma_start3A_26 : memref<128xi32, #tpu.memory_space<vmem>>) semaphore(%arg11 : memref<!tpu.dma_semaphore, #tpu.memory_space<semaphore_mem>>)
        %dma_wait3A = arith.constant 0 : i32
        %dma_wait3A_30 = tpu.memref_slice %arg7[%scan3A_23, %dma_wait3A] : memref<96x128xi32, #tpu.memory_space<vmem>> -> memref<1x128xi32, #tpu.memory_space<vmem>>
        %dma_wait3A_31 = tpu.memref_squeeze %dma_wait3A_30 : memref<1x128xi32, #tpu.memory_space<vmem>> -> memref<128xi32, #tpu.memory_space<vmem>>
        %dma_wait3A_32 = arith.constant 0 : i32
        %dma_wait3A_33 = arith.constant 0 : i32
        %dma_wait3A_34 = tpu.memref_slice %arg2[%dma_wait3A_32, %dma_wait3A_33] : memref<10000x32xf32, #tpu.memory_space<hbm>> -> memref<10000x32xf32, #tpu.memory_space<hbm>>
        tpu.wait_indirect_dma semaphore(%arg11 : memref<!tpu.dma_semaphore, #tpu.memory_space<semaphore_mem>>) src(%dma_wait3A_34 : memref<10000x32xf32, #tpu.memory_space<hbm>>) dst(%arg9 : memref<128x32xf32, #tpu.memory_space<vmem>>)
        "tpu.region"() ({
          %run_scoped3A = tpu.sem_alloc : memref<!tpu.dma_semaphore, #tpu.memory_space<semaphore_mem>>
          %dma_start3A_35 = arith.constant 0 : i32
          %dma_start3A_36 = tpu.memref_slice %arg8[%scan3A_23, %dma_start3A_35] : memref<96x128xi32, #tpu.memory_space<vmem>> -> memref<1x128xi32, #tpu.memory_space<vmem>>
          %dma_start3A_37 = tpu.memref_squeeze %dma_start3A_36 : memref<1x128xi32, #tpu.memory_space<vmem>> -> memref<128xi32, #tpu.memory_space<vmem>>
          %dma_start3A_38 = arith.constant 0 : i32
          %dma_start3A_39 = arith.constant 0 : i32
          %dma_start3A_40 = tpu.memref_slice %arg10[%dma_start3A_38, %dma_start3A_39] : memref<10112x32xf32, #tpu.memory_space<vmem_shared>> -> memref<10112x32xf32, #tpu.memory_space<vmem_shared>>
          tpu.enqueue_indirect_dma source(%arg9 : memref<128x32xf32, #tpu.memory_space<vmem>>) target(%dma_start3A_40 : memref<10112x32xf32, #tpu.memory_space<vmem_shared>>) offsets(%dma_start3A_37 : memref<128xi32, #tpu.memory_space<vmem>>) semaphore(%run_scoped3A : memref<!tpu.dma_semaphore, #tpu.memory_space<semaphore_mem>>) {add = true}
          %dma_wait3A_41 = arith.constant 0 : i32
          %dma_wait3A_42 = tpu.memref_slice %arg8[%scan3A_23, %dma_wait3A_41] : memref<96x128xi32, #tpu.memory_space<vmem>> -> memref<1x128xi32, #tpu.memory_space<vmem>>
          %dma_wait3A_43 = tpu.memref_squeeze %dma_wait3A_42 : memref<1x128xi32, #tpu.memory_space<vmem>> -> memref<128xi32, #tpu.memory_space<vmem>>
          %dma_wait3A_44 = arith.constant 0 : i32
          %dma_wait3A_45 = arith.constant 0 : i32
          %dma_wait3A_46 = tpu.memref_slice %arg10[%dma_wait3A_44, %dma_wait3A_45] : memref<10112x32xf32, #tpu.memory_space<vmem_shared>> -> memref<10112x32xf32, #tpu.memory_space<vmem_shared>>
          tpu.wait_indirect_dma semaphore(%run_scoped3A : memref<!tpu.dma_semaphore, #tpu.memory_space<semaphore_mem>>) src(%arg9 : memref<128x32xf32, #tpu.memory_space<vmem>>) dst(%dma_wait3A_46 : memref<10112x32xf32, #tpu.memory_space<vmem_shared>>)
          tpu.yield
        }) : () -> ()
      } else {
      }
    }
    %scan3A_17 = arith.constant 96 : i32
    %barrier3A_18 = arith.constant 0 : index
    tpu.barrier barrier_id(%barrier3A_18)
    %mul3A_19 = arith.constant 632 : i32
    %mul3A_20 = arith.muli %arg1, %mul3A_19 : i32
    %mul3A_21 = arith.constant 632 : i32
    %mul3A_22 = arith.muli %arg1, %mul3A_21 : i32
    "tpu.region"() ({
      %run_scoped3A = tpu.sem_alloc : memref<!tpu.dma_semaphore, #tpu.memory_space<semaphore_mem>>
      %dma_start3A = arith.constant 0 : i32
      %dma_start3A_23 = tpu.memref_slice %arg6[%arg0, %mul3A_22, %dma_start3A] : memref<2x10112x32xf32, #tpu.memory_space<hbm>> -> memref<1x632x32xf32, #tpu.memory_space<hbm>>
      %dma_start3A_24 = tpu.memref_squeeze %dma_start3A_23 : memref<1x632x32xf32, #tpu.memory_space<hbm>> -> memref<632x32xf32, #tpu.memory_space<hbm>>
      %dma_start3A_25 = arith.constant 0 : i32
      %dma_start3A_26 = tpu.memref_slice %arg10[%mul3A_20, %dma_start3A_25] : memref<10112x32xf32, #tpu.memory_space<vmem_shared>> -> memref<632x32xf32, #tpu.memory_space<vmem_shared>>
      tpu.enqueue_dma source(%dma_start3A_26 : memref<632x32xf32, #tpu.memory_space<vmem_shared>>) target(%dma_start3A_24 : memref<632x32xf32, #tpu.memory_space<hbm>>) target_semaphore(%run_scoped3A : memref<!tpu.dma_semaphore, #tpu.memory_space<semaphore_mem>>)
      %dma_wait3A = arith.constant 0 : i32
      %dma_wait3A_27 = tpu.memref_slice %arg6[%arg0, %mul3A_22, %dma_wait3A] : memref<2x10112x32xf32, #tpu.memory_space<hbm>> -> memref<1x632x32xf32, #tpu.memory_space<hbm>>
      %dma_wait3A_28 = tpu.memref_squeeze %dma_wait3A_27 : memref<1x632x32xf32, #tpu.memory_space<hbm>> -> memref<632x32xf32, #tpu.memory_space<hbm>>
      %dma_wait3A_29 = arith.constant 0 : i32
      %dma_wait3A_30 = tpu.memref_slice %arg10[%mul3A_20, %dma_wait3A_29] : memref<10112x32xf32, #tpu.memory_space<vmem_shared>> -> memref<632x32xf32, #tpu.memory_space<vmem_shared>>
      tpu.wait_dma2 semaphore(%run_scoped3A : memref<!tpu.dma_semaphore, #tpu.memory_space<semaphore_mem>>) src(%dma_wait3A_30 : memref<632x32xf32, #tpu.memory_space<vmem_shared>>) dst(%dma_wait3A_28 : memref<632x32xf32, #tpu.memory_space<hbm>>)
      tpu.yield
    }) : () -> ()
    return
  }
}

module attributes {stable_mosaic.version = 14 : i64} {
  func.func @_layer_body(%arg0: i32, %arg1: memref<1000x128xf32, #tpu.memory_space<vmem>>, %arg2: memref<1000x128xf32, #tpu.memory_space<vmem>>, %arg3: memref<1000x1xf32, #tpu.memory_space<vmem>>, %arg4: memref<1000x128xf32, #tpu.memory_space<vmem>>, %arg5: memref<128x128xf32, #tpu.memory_space<vmem>>, %arg6: memref<128x128xf32, #tpu.memory_space<vmem>>, %arg7: memref<1x128xf32, #tpu.memory_space<vmem>>, %arg8: memref<1000x128xf32, #tpu.memory_space<vmem>>) attributes {dimension_semantics = [#tpu.dimension_semantics<arbitrary>], iteration_bounds = array<i64: 10>, scalar_prefetch = 0 : i64, scratch_operands = 0 : i64, tpu.core_type = #tpu.core_type<tc>, window_params = [{transform_indices = @transform_0, window_bounds = array<i64: 1000, 128>}, {transform_indices = @transform_1, window_bounds = array<i64: 1000, 128>}, {transform_indices = @transform_2, window_bounds = array<i64: 1000, 1>}, {transform_indices = @transform_3, window_bounds = array<i64: 1000, 128>}, {pipeline_mode = #tpu.pipeline_mode<synchronous>, transform_indices = @transform_4, window_bounds = array<i64: 128, 128>}, {pipeline_mode = #tpu.pipeline_mode<synchronous>, transform_indices = @transform_5, window_bounds = array<i64: 128, 128>}, {pipeline_mode = #tpu.pipeline_mode<synchronous>, transform_indices = @transform_6, window_bounds = array<i64: 1, 128>}, {transform_indices = @transform_7, window_bounds = array<i64: 1000, 128>}]} {
    %get3A = arith.constant 0 : index
    %get3A_0 = arith.constant 0 : index
    %get3A_1 = vector.load %arg3[%get3A, %get3A_0] : memref<1000x1xf32, #tpu.memory_space<vmem>>, vector<1000x1xf32>
    %max3A = arith.constant 1.000000e+00 : f32
    %max3A_2 = vector.broadcast %max3A : f32 to vector<1000x1xf32>
    %max3A_3 = arith.maximumf %get3A_1, %max3A_2 : vector<1000x1xf32>
    %div3A = arith.constant 1.000000e+00 : f32
    %div3A_4 = vector.broadcast %div3A : f32 to vector<1000x1xf32>
    %div3A_5 = arith.divf %div3A_4, %max3A_3 : vector<1000x1xf32>
    %get3A_6 = arith.constant 0 : index
    %get3A_7 = arith.constant 0 : index
    %get3A_8 = vector.load %arg1[%get3A_6, %get3A_7] : memref<1000x128xf32, #tpu.memory_space<vmem>>, vector<1000x128xf32>
    %get3A_9 = arith.constant 0 : index
    %get3A_10 = arith.constant 0 : index
    %get3A_11 = vector.load %arg2[%get3A_9, %get3A_10] : memref<1000x128xf32, #tpu.memory_space<vmem>>, vector<1000x128xf32>
    %add3A = arith.addf %get3A_8, %get3A_11 : vector<1000x128xf32>
    %mul3A = vector.broadcast %div3A_5 : vector<1000x1xf32> to vector<1000x128xf32>
    %mul3A_12 = arith.mulf %add3A, %mul3A : vector<1000x128xf32>
    %get3A_13 = arith.constant 0 : index
    %get3A_14 = arith.constant 0 : index
    %get3A_15 = vector.load %arg5[%get3A_13, %get3A_14] : memref<128x128xf32, #tpu.memory_space<vmem>>, vector<128x128xf32>
    %dot_general3A = arith.constant dense<0.000000e+00> : vector<1000x128xf32>
    %dot_general3A_16 = tpu.matmul %mul3A_12, %get3A_15, %dot_general3A {dimension_numbers = #tpu.dot_dimension_numbers<[1], [0], [0], [1], [0, 0, 1, 1], [], []>, transpose_lhs_hint = false} : vector<1000x128xf32>, vector<128x128xf32>, vector<1000x128xf32> -> vector<1000x128xf32>
    %get3A_17 = arith.constant 0 : index
    %get3A_18 = arith.constant 0 : index
    %get3A_19 = vector.load %arg4[%get3A_17, %get3A_18] : memref<1000x128xf32, #tpu.memory_space<vmem>>, vector<1000x128xf32>
    %get3A_20 = arith.constant 0 : index
    %get3A_21 = arith.constant 0 : index
    %get3A_22 = vector.load %arg6[%get3A_20, %get3A_21] : memref<128x128xf32, #tpu.memory_space<vmem>>, vector<128x128xf32>
    %dot_general3A_23 = arith.constant dense<0.000000e+00> : vector<1000x128xf32>
    %dot_general3A_24 = tpu.matmul %get3A_19, %get3A_22, %dot_general3A_23 {dimension_numbers = #tpu.dot_dimension_numbers<[1], [0], [0], [1], [0, 0, 1, 1], [], []>, transpose_lhs_hint = false} : vector<1000x128xf32>, vector<128x128xf32>, vector<1000x128xf32> -> vector<1000x128xf32>
    %add3A_25 = arith.addf %dot_general3A_16, %dot_general3A_24 : vector<1000x128xf32>
    %get3A_26 = arith.constant 0 : index
    %get3A_27 = arith.constant 0 : index
    %get3A_28 = vector.load %arg7[%get3A_26, %get3A_27] : memref<1x128xf32, #tpu.memory_space<vmem>>, vector<1x128xf32>
    %add3A_29 = vector.broadcast %get3A_28 : vector<1x128xf32> to vector<1000x128xf32>
    %add3A_30 = arith.addf %add3A_25, %add3A_29 : vector<1000x128xf32>
    %max3A_31 = arith.constant 0.000000e+00 : f32
    %max3A_32 = vector.broadcast %max3A_31 : f32 to vector<1000x128xf32>
    %max3A_33 = arith.maximumf %add3A_30, %max3A_32 : vector<1000x128xf32>
    %swap3A = arith.constant 0 : index
    %swap3A_34 = arith.constant 0 : index
    %swap3A_35 = vector.load %arg8[%swap3A, %swap3A_34] : memref<1000x128xf32, #tpu.memory_space<vmem>>, vector<1000x128xf32>
    tpu.vector_store %arg8[%swap3A, %swap3A_34], %max3A_33 {strides = array<i32>} : memref<1000x128xf32, #tpu.memory_space<vmem>>, vector<1000x128xf32>,
    return
  }
  func.func @transform_0(%arg0: i32) -> (i32, i32) {
    %c0_i32 = arith.constant 0 : i32
    %c0_i32_0 = arith.constant 0 : i32
    return %arg0, %c0_i32 : i32, i32
  }
  func.func @transform_1(%arg0: i32) -> (i32, i32) {
    %c0_i32 = arith.constant 0 : i32
    %c0_i32_0 = arith.constant 0 : i32
    return %arg0, %c0_i32 : i32, i32
  }
  func.func @transform_2(%arg0: i32) -> (i32, i32) {
    %c0_i32 = arith.constant 0 : i32
    %c0_i32_0 = arith.constant 0 : i32
    return %arg0, %c0_i32 : i32, i32
  }
  func.func @transform_3(%arg0: i32) -> (i32, i32) {
    %c0_i32 = arith.constant 0 : i32
    %c0_i32_0 = arith.constant 0 : i32
    return %arg0, %c0_i32 : i32, i32
  }
  func.func @transform_4(%arg0: i32) -> (i32, i32) {
    %c0_i32 = arith.constant 0 : i32
    %c0_i32_0 = arith.constant 0 : i32
    %c0_i32_1 = arith.constant 0 : i32
    return %c0_i32, %c0_i32_0 : i32, i32
  }
  func.func @transform_5(%arg0: i32) -> (i32, i32) {
    %c0_i32 = arith.constant 0 : i32
    %c0_i32_0 = arith.constant 0 : i32
    %c0_i32_1 = arith.constant 0 : i32
    return %c0_i32, %c0_i32_0 : i32, i32
  }
  func.func @transform_6(%arg0: i32) -> (i32, i32) {
    %c0_i32 = arith.constant 0 : i32
    %c0_i32_0 = arith.constant 0 : i32
    %c0_i32_1 = arith.constant 0 : i32
    return %c0_i32, %c0_i32_0 : i32, i32
  }
  func.func @transform_7(%arg0: i32) -> (i32, i32) {
    %c0_i32 = arith.constant 0 : i32
    %c0_i32_0 = arith.constant 0 : i32
    return %arg0, %c0_i32 : i32, i32
  }
}

module attributes {stable_mosaic.version = 14 : i64} {
  func.func @_layer3_body(%arg0: i32, %arg1: memref<1000x128xf32, #tpu.memory_space<vmem>>, %arg2: memref<1000x128xf32, #tpu.memory_space<vmem>>, %arg3: memref<1000x1xf32, #tpu.memory_space<vmem>>, %arg4: memref<1000x128xf32, #tpu.memory_space<vmem>>, %arg5: memref<128x128xf32, #tpu.memory_space<vmem>>, %arg6: memref<128x128xf32, #tpu.memory_space<vmem>>, %arg7: memref<1x128xf32, #tpu.memory_space<vmem>>, %arg8: memref<128x32xf32, #tpu.memory_space<vmem>>, %arg9: memref<1000x128xf32, #tpu.memory_space<vmem>>, %arg10: memref<1000x32xf32, #tpu.memory_space<vmem>>) attributes {dimension_semantics = [#tpu.dimension_semantics<arbitrary>], iteration_bounds = array<i64: 10>, scalar_prefetch = 0 : i64, scratch_operands = 0 : i64, tpu.core_type = #tpu.core_type<tc>, window_params = [{transform_indices = @transform_0, window_bounds = array<i64: 1000, 128>}, {transform_indices = @transform_1, window_bounds = array<i64: 1000, 128>}, {transform_indices = @transform_2, window_bounds = array<i64: 1000, 1>}, {transform_indices = @transform_3, window_bounds = array<i64: 1000, 128>}, {pipeline_mode = #tpu.pipeline_mode<synchronous>, transform_indices = @transform_4, window_bounds = array<i64: 128, 128>}, {pipeline_mode = #tpu.pipeline_mode<synchronous>, transform_indices = @transform_5, window_bounds = array<i64: 128, 128>}, {pipeline_mode = #tpu.pipeline_mode<synchronous>, transform_indices = @transform_6, window_bounds = array<i64: 1, 128>}, {pipeline_mode = #tpu.pipeline_mode<synchronous>, transform_indices = @transform_7, window_bounds = array<i64: 128, 32>}, {transform_indices = @transform_8, window_bounds = array<i64: 1000, 128>}, {transform_indices = @transform_9, window_bounds = array<i64: 1000, 32>}]} {
    %get3A = arith.constant 0 : index
    %get3A_0 = arith.constant 0 : index
    %get3A_1 = vector.load %arg3[%get3A, %get3A_0] : memref<1000x1xf32, #tpu.memory_space<vmem>>, vector<1000x1xf32>
    %max3A = arith.constant 1.000000e+00 : f32
    %max3A_2 = vector.broadcast %max3A : f32 to vector<1000x1xf32>
    %max3A_3 = arith.maximumf %get3A_1, %max3A_2 : vector<1000x1xf32>
    %div3A = arith.constant 1.000000e+00 : f32
    %div3A_4 = vector.broadcast %div3A : f32 to vector<1000x1xf32>
    %div3A_5 = arith.divf %div3A_4, %max3A_3 : vector<1000x1xf32>
    %get3A_6 = arith.constant 0 : index
    %get3A_7 = arith.constant 0 : index
    %get3A_8 = vector.load %arg1[%get3A_6, %get3A_7] : memref<1000x128xf32, #tpu.memory_space<vmem>>, vector<1000x128xf32>
    %get3A_9 = arith.constant 0 : index
    %get3A_10 = arith.constant 0 : index
    %get3A_11 = vector.load %arg2[%get3A_9, %get3A_10] : memref<1000x128xf32, #tpu.memory_space<vmem>>, vector<1000x128xf32>
    %add3A = arith.addf %get3A_8, %get3A_11 : vector<1000x128xf32>
    %mul3A = vector.broadcast %div3A_5 : vector<1000x1xf32> to vector<1000x128xf32>
    %mul3A_12 = arith.mulf %add3A, %mul3A : vector<1000x128xf32>
    %get3A_13 = arith.constant 0 : index
    %get3A_14 = arith.constant 0 : index
    %get3A_15 = vector.load %arg5[%get3A_13, %get3A_14] : memref<128x128xf32, #tpu.memory_space<vmem>>, vector<128x128xf32>
    %dot_general3A = arith.constant dense<0.000000e+00> : vector<1000x128xf32>
    %dot_general3A_16 = tpu.matmul %mul3A_12, %get3A_15, %dot_general3A {dimension_numbers = #tpu.dot_dimension_numbers<[1], [0], [0], [1], [0, 0, 1, 1], [], []>, transpose_lhs_hint = false} : vector<1000x128xf32>, vector<128x128xf32>, vector<1000x128xf32> -> vector<1000x128xf32>
    %get3A_17 = arith.constant 0 : index
    %get3A_18 = arith.constant 0 : index
    %get3A_19 = vector.load %arg4[%get3A_17, %get3A_18] : memref<1000x128xf32, #tpu.memory_space<vmem>>, vector<1000x128xf32>
    %get3A_20 = arith.constant 0 : index
    %get3A_21 = arith.constant 0 : index
    %get3A_22 = vector.load %arg6[%get3A_20, %get3A_21] : memref<128x128xf32, #tpu.memory_space<vmem>>, vector<128x128xf32>
    %dot_general3A_23 = arith.constant dense<0.000000e+00> : vector<1000x128xf32>
    %dot_general3A_24 = tpu.matmul %get3A_19, %get3A_22, %dot_general3A_23 {dimension_numbers = #tpu.dot_dimension_numbers<[1], [0], [0], [1], [0, 0, 1, 1], [], []>, transpose_lhs_hint = false} : vector<1000x128xf32>, vector<128x128xf32>, vector<1000x128xf32> -> vector<1000x128xf32>
    %add3A_25 = arith.addf %dot_general3A_16, %dot_general3A_24 : vector<1000x128xf32>
    %get3A_26 = arith.constant 0 : index
    %get3A_27 = arith.constant 0 : index
    %get3A_28 = vector.load %arg7[%get3A_26, %get3A_27] : memref<1x128xf32, #tpu.memory_space<vmem>>, vector<1x128xf32>
    %add3A_29 = vector.broadcast %get3A_28 : vector<1x128xf32> to vector<1000x128xf32>
    %add3A_30 = arith.addf %add3A_25, %add3A_29 : vector<1000x128xf32>
    %max3A_31 = arith.constant 0.000000e+00 : f32
    %max3A_32 = vector.broadcast %max3A_31 : f32 to vector<1000x128xf32>
    %max3A_33 = arith.maximumf %add3A_30, %max3A_32 : vector<1000x128xf32>
    %swap3A = arith.constant 0 : index
    %swap3A_34 = arith.constant 0 : index
    %swap3A_35 = vector.load %arg9[%swap3A, %swap3A_34] : memref<1000x128xf32, #tpu.memory_space<vmem>>, vector<1000x128xf32>
    tpu.vector_store %arg9[%swap3A, %swap3A_34], %max3A_33 {strides = array<i32>} : memref<1000x128xf32, #tpu.memory_space<vmem>>, vector<1000x128xf32>,
    %get3A_36 = arith.constant 0 : index
    %get3A_37 = arith.constant 0 : index
    %get3A_38 = vector.load %arg8[%get3A_36, %get3A_37] : memref<128x32xf32, #tpu.memory_space<vmem>>, vector<128x32xf32>
    %dot_general3A_39 = arith.constant dense<0.000000e+00> : vector<1000x32xf32>
    %dot_general3A_40 = tpu.matmul %max3A_33, %get3A_38, %dot_general3A_39 {dimension_numbers = #tpu.dot_dimension_numbers<[1], [0], [0], [1], [0, 0, 1, 1], [], []>, transpose_lhs_hint = false} : vector<1000x128xf32>, vector<128x32xf32>, vector<1000x32xf32> -> vector<1000x32xf32>
    %swap3A_41 = arith.constant 0 : index
    %swap3A_42 = arith.constant 0 : index
    %swap3A_43 = vector.load %arg10[%swap3A_41, %swap3A_42] : memref<1000x32xf32, #tpu.memory_space<vmem>>, vector<1000x32xf32>
    tpu.vector_store %arg10[%swap3A_41, %swap3A_42], %dot_general3A_40 {strides = array<i32>} : memref<1000x32xf32, #tpu.memory_space<vmem>>, vector<1000x32xf32>,
    return
  }
  func.func @transform_0(%arg0: i32) -> (i32, i32) {
    %c0_i32 = arith.constant 0 : i32
    %c0_i32_0 = arith.constant 0 : i32
    return %arg0, %c0_i32 : i32, i32
  }
  func.func @transform_1(%arg0: i32) -> (i32, i32) {
    %c0_i32 = arith.constant 0 : i32
    %c0_i32_0 = arith.constant 0 : i32
    return %arg0, %c0_i32 : i32, i32
  }
  func.func @transform_2(%arg0: i32) -> (i32, i32) {
    %c0_i32 = arith.constant 0 : i32
    %c0_i32_0 = arith.constant 0 : i32
    return %arg0, %c0_i32 : i32, i32
  }
  func.func @transform_3(%arg0: i32) -> (i32, i32) {
    %c0_i32 = arith.constant 0 : i32
    %c0_i32_0 = arith.constant 0 : i32
    return %arg0, %c0_i32 : i32, i32
  }
  func.func @transform_4(%arg0: i32) -> (i32, i32) {
    %c0_i32 = arith.constant 0 : i32
    %c0_i32_0 = arith.constant 0 : i32
    %c0_i32_1 = arith.constant 0 : i32
    return %c0_i32, %c0_i32_0 : i32, i32
  }
  func.func @transform_5(%arg0: i32) -> (i32, i32) {
    %c0_i32 = arith.constant 0 : i32
    %c0_i32_0 = arith.constant 0 : i32
    %c0_i32_1 = arith.constant 0 : i32
    return %c0_i32, %c0_i32_0 : i32, i32
  }
  func.func @transform_6(%arg0: i32) -> (i32, i32) {
    %c0_i32 = arith.constant 0 : i32
    %c0_i32_0 = arith.constant 0 : i32
    %c0_i32_1 = arith.constant 0 : i32
    return %c0_i32, %c0_i32_0 : i32, i32
  }
  func.func @transform_7(%arg0: i32) -> (i32, i32) {
    %c0_i32 = arith.constant 0 : i32
    %c0_i32_0 = arith.constant 0 : i32
    %c0_i32_1 = arith.constant 0 : i32
    return %c0_i32, %c0_i32_0 : i32, i32
  }
  func.func @transform_8(%arg0: i32) -> (i32, i32) {
    %c0_i32 = arith.constant 0 : i32
    %c0_i32_0 = arith.constant 0 : i32
    return %arg0, %c0_i32 : i32, i32
  }
  func.func @transform_9(%arg0: i32) -> (i32, i32) {
    %c0_i32 = arith.constant 0 : i32
    %c0_i32_0 = arith.constant 0 : i32
    return %arg0, %c0_i32 : i32, i32
  }
}

module attributes {stable_mosaic.version = 14 : i64} {
  func.func @_heads_body(%arg0: i32, %arg1: memref<1000x32xf32, #tpu.memory_space<vmem>>, %arg2: memref<1000x32xf32, #tpu.memory_space<vmem>>, %arg3: memref<1000x1xf32, #tpu.memory_space<vmem>>, %arg4: memref<1000x128xf32, #tpu.memory_space<vmem>>, %arg5: memref<128x32xf32, #tpu.memory_space<vmem>>, %arg6: memref<1x32xf32, #tpu.memory_space<vmem>>, %arg7: memref<1000x32xf32, #tpu.memory_space<vmem>>) attributes {dimension_semantics = [#tpu.dimension_semantics<arbitrary>], iteration_bounds = array<i64: 10>, scalar_prefetch = 0 : i64, scratch_operands = 0 : i64, tpu.core_type = #tpu.core_type<tc>, window_params = [{transform_indices = @transform_0, window_bounds = array<i64: 1000, 32>}, {transform_indices = @transform_1, window_bounds = array<i64: 1000, 32>}, {transform_indices = @transform_2, window_bounds = array<i64: 1000, 1>}, {transform_indices = @transform_3, window_bounds = array<i64: 1000, 128>}, {pipeline_mode = #tpu.pipeline_mode<synchronous>, transform_indices = @transform_4, window_bounds = array<i64: 128, 32>}, {pipeline_mode = #tpu.pipeline_mode<synchronous>, transform_indices = @transform_5, window_bounds = array<i64: 1, 32>}, {transform_indices = @transform_6, window_bounds = array<i64: 1000, 32>}]} {
    %get3A = arith.constant 0 : index
    %get3A_0 = arith.constant 0 : index
    %get3A_1 = vector.load %arg3[%get3A, %get3A_0] : memref<1000x1xf32, #tpu.memory_space<vmem>>, vector<1000x1xf32>
    %max3A = arith.constant 1.000000e+00 : f32
    %max3A_2 = vector.broadcast %max3A : f32 to vector<1000x1xf32>
    %max3A_3 = arith.maximumf %get3A_1, %max3A_2 : vector<1000x1xf32>
    %div3A = arith.constant 1.000000e+00 : f32
    %div3A_4 = vector.broadcast %div3A : f32 to vector<1000x1xf32>
    %div3A_5 = arith.divf %div3A_4, %max3A_3 : vector<1000x1xf32>
    %get3A_6 = arith.constant 0 : index
    %get3A_7 = arith.constant 0 : index
    %get3A_8 = vector.load %arg1[%get3A_6, %get3A_7] : memref<1000x32xf32, #tpu.memory_space<vmem>>, vector<1000x32xf32>
    %get3A_9 = arith.constant 0 : index
    %get3A_10 = arith.constant 0 : index
    %get3A_11 = vector.load %arg2[%get3A_9, %get3A_10] : memref<1000x32xf32, #tpu.memory_space<vmem>>, vector<1000x32xf32>
    %add3A = arith.addf %get3A_8, %get3A_11 : vector<1000x32xf32>
    %mul3A = vector.broadcast %div3A_5 : vector<1000x1xf32> to vector<1000x32xf32>
    %mul3A_12 = arith.mulf %add3A, %mul3A : vector<1000x32xf32>
    %get3A_13 = arith.constant 0 : index
    %get3A_14 = arith.constant 0 : index
    %get3A_15 = vector.load %arg4[%get3A_13, %get3A_14] : memref<1000x128xf32, #tpu.memory_space<vmem>>, vector<1000x128xf32>
    %get3A_16 = arith.constant 0 : index
    %get3A_17 = arith.constant 0 : index
    %get3A_18 = vector.load %arg5[%get3A_16, %get3A_17] : memref<128x32xf32, #tpu.memory_space<vmem>>, vector<128x32xf32>
    %dot_general3A = arith.constant dense<0.000000e+00> : vector<1000x32xf32>
    %dot_general3A_19 = tpu.matmul %get3A_15, %get3A_18, %dot_general3A {dimension_numbers = #tpu.dot_dimension_numbers<[1], [0], [0], [1], [0, 0, 1, 1], [], []>, transpose_lhs_hint = false} : vector<1000x128xf32>, vector<128x32xf32>, vector<1000x32xf32> -> vector<1000x32xf32>
    %add3A_20 = arith.addf %mul3A_12, %dot_general3A_19 : vector<1000x32xf32>
    %get3A_21 = arith.constant 0 : index
    %get3A_22 = arith.constant 0 : index
    %get3A_23 = vector.load %arg6[%get3A_21, %get3A_22] : memref<1x32xf32, #tpu.memory_space<vmem>>, vector<1x32xf32>
    %add3A_24 = vector.broadcast %get3A_23 : vector<1x32xf32> to vector<1000x32xf32>
    %add3A_25 = arith.addf %add3A_20, %add3A_24 : vector<1000x32xf32>
    %swap3A = arith.constant 0 : index
    %swap3A_26 = arith.constant 0 : index
    %swap3A_27 = vector.load %arg7[%swap3A, %swap3A_26] : memref<1000x32xf32, #tpu.memory_space<vmem>>, vector<1000x32xf32>
    tpu.vector_store %arg7[%swap3A, %swap3A_26], %add3A_25 {strides = array<i32>} : memref<1000x32xf32, #tpu.memory_space<vmem>>, vector<1000x32xf32>,
    return
  }
  func.func @transform_0(%arg0: i32) -> (i32, i32) {
    %c0_i32 = arith.constant 0 : i32
    %c0_i32_0 = arith.constant 0 : i32
    return %arg0, %c0_i32 : i32, i32
  }
  func.func @transform_1(%arg0: i32) -> (i32, i32) {
    %c0_i32 = arith.constant 0 : i32
    %c0_i32_0 = arith.constant 0 : i32
    return %arg0, %c0_i32 : i32, i32
  }
  func.func @transform_2(%arg0: i32) -> (i32, i32) {
    %c0_i32 = arith.constant 0 : i32
    %c0_i32_0 = arith.constant 0 : i32
    return %arg0, %c0_i32 : i32, i32
  }
  func.func @transform_3(%arg0: i32) -> (i32, i32) {
    %c0_i32 = arith.constant 0 : i32
    %c0_i32_0 = arith.constant 0 : i32
    return %arg0, %c0_i32 : i32, i32
  }
  func.func @transform_4(%arg0: i32) -> (i32, i32) {
    %c0_i32 = arith.constant 0 : i32
    %c0_i32_0 = arith.constant 0 : i32
    %c0_i32_1 = arith.constant 0 : i32
    return %c0_i32, %c0_i32_0 : i32, i32
  }
  func.func @transform_5(%arg0: i32) -> (i32, i32) {
    %c0_i32 = arith.constant 0 : i32
    %c0_i32_0 = arith.constant 0 : i32
    %c0_i32_1 = arith.constant 0 : i32
    return %c0_i32, %c0_i32_0 : i32, i32
  }
  func.func @transform_6(%arg0: i32) -> (i32, i32) {
    %c0_i32 = arith.constant 0 : i32
    %c0_i32_0 = arith.constant 0 : i32
    return %arg0, %c0_i32 : i32, i32
  }
}

</mosaic_0001>

<sc_bundles>
// kernel: kernel.11.cloned.1.call-start
scs
__scs_entry_jumppad:
0x0: {  	(pc) =	sbr.rel $0x88, $3  }
0x1: {  	(tag) =	ssettag $0x0;
	lr =	simm.s32 $0x1  }
0x2: {  	[smem:$0x3F8D] =	sst lr;
	_ =	strace $0xD0000000  }
0x3: {  	_ = 	snop  }
0x4: {  	_ = 	snop  }
0x5: {  	_ = 	snop  }
0x6: {  	_ = 	snop  }
0x7: {  	_ = 	snop  }
__scs_overlays_trampoline_lowered:
0x8: {  	[smem:$0x3F9C] =	sst s0  }
0x9: {  	[smem:$0x3F9D] =	sst s1  }
0xa: {  	[smem:$0x3F9E] =	sst s2  }
0xb: {  	[smem:$0x3F9F] =	sst s3  }
0xc: {  	[smem:$0x3FA0] =	sst s4  }
0xd: {  	[smem:$0x3FA1] =	sst s5  }
0xe: {  	[smem:$0x3FA2] =	sst s6  }
0xf: {  	[smem:$0x3FA3] =	sst s7  }
0x10: {  	[smem:$0x3FA4] =	sst s8  }
0x11: {  	[smem:$0x3FA5] =	sst s9;
	s0 =	simm.s32 @!p0 $0x0  }
0x12: {  	s1 =	sld [smem:$0x3F8B];
	s0 =	simm.s32 @p0 $0x1  }
0x13: {  	[smem:$0x3FA6] =	sst s0;
	s0 =	simm.s32 @!p1 $0x0  }
0x14: {  	s2 =	sld [smem:$0x3F8A];
	s0 =	simm.s32 @p1 $0x1  }
0x15: {  	[smem:$0x3FA7] =	sst s0;
	s0 =	simm.s32 @!p2 $0x0  }
0x16: {  	s3 =	sld [smem:$0x3FDB];
	s0 =	simm.s32 @p2 $0x1  }
0x17: {  	s4 =	simm.s32 $0x1BF5;
	[smem:$0x3FA9] =	sst s0  }
0x18: {  	s0 =	sld [smem:$0x3F8C];
	_ =	swait.ge [sflag:s4], $0x0  }
0x19: {  	s7 =	sld [smem:$0x3F8D]  }
0x1a: {  	s8 =	sadd.s32 $0xFFFFE003, lr  }
0x1b: {  	s9 =	sadd.s32 $0xFFFFFEF7, lr;
	s5 =	simm.s32 $0xFFFFFFFF;
	p2 =	slt.u32 s8, $0xFFFFF086  }
0x1c: {  	p1 =	slt.u32 s9, $0xF7A;
	s5 =	simm.s32 @!p2 $0x0  }
0x1d: {  	s5 =	simm.s32 @p1 $0x1;
	p0 =	seq.s32 s7, s2  }
0x1e: {  	s7 =	smul.u32 @!p0 $0xF7A, s2;
	p2 =	seq.s32 @!p0 s5, $0x0  }
0x1f: {  	s9 =	smul.u32 $0xF7A, s1;
	s8 =	simm.s32 @!p0 $0x1BF5;
	p2 =	por !p2, p0  }
0x20: {  	[sflag:s8] =	ssyncset.s32 @!p0 $0xFFFFF086;
	s6 =	sadd.s32 @!p0 s3, s7;
	s7 =	simm.s32 @!p0 $0x108  }
0x21: {  	s3 =	sadd.s32 s3, s9;
	s6 =	sadd.s32 @!p0 $0x88, s6;
	s7 =	simm.s32 @p2 $0x1082  }
0x22: {  	[simem:s7], [sflag:s8] =	dma.local @!p0 [hbm:s6], $0xF7A  }
0x23: {  	s9 =	sor.u32 $0xD0000000, s2;
	s6 =	simm.s32 $0x108;
	_ =	swait.ge @!p0 [sflag:s8], $0x0  }
0x24: {  	s3 =	sadd.s32 $0x88, s3;
	s6 =	simm.s32 @!p1 $0x1082;
	[sflag:s4] =	ssyncset.s32 $0xFFFFF086  }
0x25: {  	[simem:s6], [sflag:s4] =	dma.local [hbm:s3], $0xF7A  }
0x26: {  	[smem:$0x3F8D] =	sst s1;
	(tag) =	ssettag s2;
	_ =	strace s9  }
0x27: {  	s1 =	sld [smem:$0x3F9D]  }
0x28: {  	s2 =	sld [smem:$0x3F9E]  }
0x29: {  	s4 =	sld [smem:$0x3FA0]  }
0x2a: {  	p0 =	seq.s32 s5, $0x0;
	s5 =	sld [smem:$0x3FA1]  }
0x2b: {  	s6 =	sld [smem:$0x3FA2]  }
0x2c: {  	s7 =	sld [smem:$0x3FA3]  }
0x2d: {  	s3 =	simm.s32 $0x108;
	s8 =	sld [smem:$0x3FA4]  }
0x2e: {  	s3 =	simm.s32 @!p0 $0x1082;
	s9 =	sld [smem:$0x3FA5]  }
0x2f: {  	lr =	sadd.s32 s0, s3;
	s0 =	sld [smem:$0x3F9C]  }
0x30: {  	s3 =	sld [smem:$0x3F9F]  }
0x31: {  	[smem:$0x3FA8] =	sst s10  }
0x32: {  	s10 =	sld [smem:$0x3FA6];
	_ =	sdelay $0x3  }
0x33: {  	p0 =	seq.s32 s10, $0x1;
	s10 =	sld [smem:$0x3FA8];
	_ =	sdelay $0x3  }
0x34: {  	[smem:$0x3FA8] =	sst s10  }
0x35: {  	s10 =	sld [smem:$0x3FA7];
	_ =	sdelay $0x3  }
0x36: {  	p1 =	seq.s32 s10, $0x1;
	s10 =	sld [smem:$0x3FA8];
	_ =	sdelay $0x3  }
0x37: {  	[smem:$0x3FA8] =	sst s10  }
0x38: {  	s10 =	sld [smem:$0x3FA9]  }
0x39: {  	_ = 	snop;
	(pc) =	sbr.ind lr, $3  }
0x3a: {  	_ = 	snop  }
0x3b: {  	_ = 	snop  }
0x3c: {  	p2 =	seq.s32 s10, $0x1;
	s10 =	sld [smem:$0x3FA8]  }
0x3d: {  	_ =	shalt  }
0x3e: {  	_ =	shalt  }
0x3f: {  	_ =	shalt  }
0x40: {  	_ =	shalt  }
0x41: {  	_ =	shalt  }
0x42: {  	_ =	shalt  }
0x43: {  	_ =	shalt  }
0x44: {  	_ =	shalt  }
0x45: {  	_ =	shalt  }
0x46: {  	_ =	shalt  }
0x47: {  	_ =	shalt  }
0x48: {  	_ =	shalt  }
0x49: {  	_ =	shalt  }
0x4a: {  	_ =	shalt  }
0x4b: {  	_ =	shalt  }
0x4c: {  	_ =	shalt  }
0x4d: {  	_ =	shalt  }
0x4e: {  	_ =	shalt  }
0x4f: {  	_ =	shalt  }
0x50: {  	_ =	shalt  }
0x51: {  	_ =	shalt  }
0x52: {  	_ =	shalt  }
0x53: {  	_ =	shalt  }
0x54: {  	_ =	shalt  }
0x55: {  	_ =	shalt  }
0x56: {  	_ =	shalt  }
0x57: {  	_ =	shalt  }
0x58: {  	_ =	shalt  }
0x59: {  	_ =	shalt  }
0x5a: {  	_ =	shalt  }
0x5b: {  	_ =	shalt  }
0x5c: {  	_ =	shalt  }
0x5d: {  	_ =	shalt  }
0x5e: {  	_ =	shalt  }
0x5f: {  	_ =	shalt  }
0x60: {  	_ =	shalt  }
0x61: {  	_ =	shalt  }
0x62: {  	_ =	shalt  }
0x63: {  	_ =	shalt  }
0x64: {  	_ =	shalt  }
0x65: {  	_ =	shalt  }
0x66: {  	_ =	shalt  }
0x67: {  	_ =	shalt  }
0x68: {  	_ =	shalt  }
0x69: {  	_ =	shalt  }
0x6a: {  	_ =	shalt  }
0x6b: {  	_ =	shalt  }
0x6c: {  	_ =	shalt  }
0x6d: {  	_ =	shalt  }
0x6e: {  	_ =	shalt  }
0x6f: {  	_ =	shalt  }
0x70: {  	_ =	shalt  }
0x71: {  	_ =	shalt  }
0x72: {  	_ =	shalt  }
0x73: {  	_ =	shalt  }
0x74: {  	_ =	shalt  }
0x75: {  	_ =	shalt  }
0x76: {  	_ =	shalt  }
0x77: {  	_ =	shalt  }
0x78: {  	_ =	shalt  }
0x79: {  	_ =	shalt  }
0x7a: {  	_ =	shalt  }
0x7b: {  	_ =	shalt  }
0x7c: {  	_ =	shalt  }
0x7d: {  	_ =	shalt  }
0x7e: {  	_ =	shalt  }
0x7f: {  	_ =	shalt  }
0x80: {  	_ =	shalt  }
0x81: {  	_ =	shalt  }
0x82: {  	_ =	shalt  }
0x83: {  	_ =	shalt  }
0x84: {  	_ =	shalt  }
0x85: {  	_ =	shalt  }
0x86: {  	_ =	shalt  }
0x87: {  	_ =	shalt  }
.Lfunc_end0:
.L_simem_size_0:
called_computation_lowered:
.L_overlay_start_0:
0x88: {  	s2 =	sld [smem:$0x3FD9]  }
0x89: {  	s3 =	sld [smem:$0x3FFE];
	_ =	sdelay $0x1  }
0x8a: {  	s1 =	srdreg.scid  }
0x8b: {  	s0 =	sand.u32 $0x1, s1  }
0x8c: {  	s17 =	sshll.u32 s0, $0xA;
	s2 =	sadd.s32 s3, s2  }
0x8d: {  	s2 =	sadd.s32 s2, s17  }
0x8e: {  	[smem:$0x3FB4] =	sst s2  }
0x8f: {  	_ = 	snop  }
0x90: {  	(tm) =	ssettm $0x1  }
0x91: {  	s18 =	sld [smem:$0x3FFB];
	_ =	sdelay $0x3  }
0x92: {  	_ =	strace s18  }
0x93: {  	s2 =	sld [smem:$0x3FFC];
	_ =	sdelay $0x3  }
0x94: {  	_ =	strace s2  }
0x95: {  	s2 =	sld [smem:$0x3FFD];
	_ =	sdelay $0x3  }
0x96: {  	_ =	strace s2  }
0x97: {  	_ =	strace $0x8FFFFFFF  }
0x98: {  	s19 =	sld [smem:$0x3FDB];
	_ =	sdelay $0x1  }
0x99: {  	s20 =	simm.s32 $_scs_section_size  }
0x9a: {  	s4 =	simm.s32 $_size__tile_overlayer_lowered;
	s5 =	simm.s32 $_tile_overlayer_lowered  }
0x9b: {  	s6 =	simm.s32 $0x1BFF;
	s21 =	sshll.u32 s5, $0x1;
	s3 =	sadd.s32 s20, s19  }
0x9c: {  	s22 =	simm.s32 $0x0;
	s4 =	sshll.u32 s4, $0x1;
	s5 =	sadd.s32 s21, s3  }
0x9d: {  	[timem:s22], [sflag:s6] =	dma.local [hbm:s5], s4  }
0x9e: {  	_ =	swait.ge [sflag:s6], s4  }
0x9f: {  	s4 =	ssub.s32 $0x0, s4;
	[sflag:s6] =	ssyncset.done $0x0  }
0xa0: {  	[sflag:s6] =	ssyncadd.s32 s4;
	_ =	sdelay $0x1  }
0xa1: {  	s23 =	simm.s32 $0x1B8B  }
0xa2: {  	_ =	swait.ge [sflag:s23], $0x1  }
0xa3: {  	[sflag:s23] =	ssyncset.done $0x0  }
0xa4: {  	[sflag:s23] =	ssyncadd.s32 $0xFFFFFFFF  }
0xa5: {  	s4 =	sld [smem:$0x0]  }
0xa6: {  	s5 =	sand.u32 $0xFFFFFFFE, s1  }
0xa7: {  	p0 =	sne.s32 s1, s5  }
0xa8: {  	s5 =	sshll.u32 @p0 s5, $0xE  }
0xa9: {  	s5 =	sadd.s32 @p0 $0x11B8D, s5;
	s6 =	sshll.u32 @p0 s4, $0x11  }
0xaa: {  	s5 =	sor.u32 @p0 s6, s5  }
0xab: {  	[sflag:s5] =	ssyncadd.remote.s32 @p0 $0x1;
	_ =	sdelay $0x1  }
0xac: {  	s5 =	simm.s32 @p0 $0x1B8D  }
0xad: {  	_ =	swait.eq @p0 [sflag:s5], $0x1  }
0xae: {  	[sflag:s5] =	ssyncadd.s32 @p0 $0xFFFFFFFF  }
0xaf: {  	s6 =	sshll.u32 @!p0 s1, $0xE  }
0xb0: {  	s6 =	sor.u32 @!p0 $0x4000, s6;
	s5 =	simm.s32 @!p0 $0x1B8D  }
0xb1: {  	s4 =	sshll.u32 @!p0 s4, $0x11;
	s6 =	sadd.s32 @!p0 $0x11B8D, s6;
	_ =	swait.eq @!p0 [sflag:s5], $0x1  }
0xb2: {  	s4 =	sor.u32 @!p0 s4, s6;
	[sflag:s5] =	ssyncadd.s32 @!p0 $0xFFFFFFFF  }
0xb3: {  	s25 =	simm.s32 $0x1B8E;
	s24 =	sld [smem:$0x3FFE];
	[sflag:s4] =	ssyncadd.remote.s32 @!p0 $0x1  }
0xb4: {  	s26 =	simm.s32 $execute0_lowered;
	[smem:$0x3FD2] =	sst s25  }
0xb5: {  	s5 =	sshll.u32 s26, $0x1;
	_ =	strace $0x80000049;
	[dreg:$0x1] =	wrdreg $0xFFFFFFFF  }
0xb6: {  	s28 =	simm.s32 $_size_execute0_lowered;
	s3 =	sadd.s32 s3, s5;
	[dreg:$0x0] =	wrdreg $0x0  }
0xb7: {  	s5 =	sshll.u32 s28, $0x1;
	[dreg:$0x2] =	wrdreg s3  }
0xb8: {  	[dreg:$0x3] =	wrdreg s5  }
0xb9: {  	[dreg:$0x4] =	wrdreg $0xC0  }
0xba: {  	_ =	task [dreg:s22], $0x5FFFF  }
0xbb: {  	[dreg:$0x1] =	wrdreg $0xFFFFFFFF  }
0xbc: {  	[dreg:$0x0] =	wrdreg $0x60  }
0xbd: {  	[dreg:$0x2] =	wrdreg s24  }
0xbe: {  	[dreg:$0x3] =	wrdreg $0x9  }
0xbf: {  	_ =	task.clear_ibuf [dreg:s22], $0x4FFFF;
	_ =	strace $0x90000049  }
0xc0: {  	s29 =	simm.s32 $0x9;
	_ =	strace $0x8000004B  }
0xc1: {  	_ =	swait.ge [sflag:s29], $0x1  }
0xc2: {  	[sflag:s29] =	ssyncadd.s32 $0xFFFFFFFF  }
0xc3: {  	_ =	strace $0x9000004B  }
0xc4: {  	_ =	sfence  }
0xc5: {  	s30 =	sld [smem:$0x0];
	_ =	sdelay $0x2  }
0xc6: {  	s31 =	sshll.u32 s1, $0xD;
	s1 =	sshrl.u32 s1, $0x2  }
0xc7: {  	s4 =	sand.u32 $0x4000, s31;
	s1 =	sadd.s32 s1, s30  }
0xc8: {  	s0 =	sor.u32 s4, s0;
	s1 =	sshll.u32 s1, $0x11  }
0xc9: {  	s0 =	sor.u32 s1, s0  }
0xca: {  	s0 =	sadd.s32 $0x8F2B, s0  }
0xcb: {  	[sflag:s0] =	ssyncadd.remote.s32 $0x1  }
0xcc: {  	_ =	sfence.sel $0xFFFF  }
0xcd: {  	[dreg:$0x0] =	wrdreg $0xFFFFFFFF;
	(pc) =	sbr.abs _section_cstart, $3  }
0xce: {  	[dreg:$0x1] =	wrdreg $0xFFFFFFFF  }
0xcf: {  	_ =	task.clear_ibuf [dreg:s22], $0x2FFFF;
	_ =	strace $0x9FFFFFFF  }
0xd0: {  	(tm) =	ssettm $0x7FFFFFFF  }
0xd1: {  	_ =	shalt  }
tec
execute0_lowered:
.L_overlay_start_1:
0x0: {  	(tag) =	ssettag $0x1  }
0x1: {  	s0 =	stileid.u32;
	s1 =	srdreg.scid  }
0x2: {  	s4 =	rddreg [dreg:$0x0];
	s2 =	simm.s32 $0x0;
	s3 =	smul.u32 $0x60, s0  }
0x3: {  	s9 =	simm.s32 $0x2;
	s10 =	simm.s32 $0x0;
	s6 =	smul.u32 $0x3D, s0  }
0x4: {  	s5 =	sand.u32 $0x1, s1;
	s1 =	rddreg [dreg:$0x1];
	s8 =	smul.u32 $0x2800, s0  }
0x5: {  	[smem:$0x7FF] =	sst s2;
	s7 =	smul.u32 $0x28000, s5;
	p0 =	seq.s32 s5, $0x0  }
0x6: {  	_ =	strace $0x8000004A;
	s5 =	ssub.s32 $0x2, s5;
	s6 =	sadd.s32 $0x600, s6  }
0x7: {  	s30 =	sshrl.u32 s5, $0x1;
	s6 =	smov.u32 @p0 s3;
	s26 =	sadd.s32 s8, s7  }
0x8: {  	s31 =	ssub.s32 s5, s30;
	s7 =	simm.s32 $0x1;
	s3 =	sshll.u32 s6, $0x4  }
0x9: {  	s29 =	sshrl.u32 s26, $0x3;
	s28 =	sadd.s32 s3, s4;
	s3 =	simm.s32 $0x60  }
0xa: {  	s8 =	simm.s32 $0x3000;
	s6 =	sadd.s32 s29, s4;
	s3 =	simm.s32 @!p0 $0x3D  }
0xb: {  	v0 =	vimm.f32 $0.0e+00;
	s4 =	sadd.s32 $0x4400, s28;
	s5 =	sadd.s32 $0x8EC00, s6;
	s6 =	smax.u32 s31, $0x1  }
.LBB2_1:
0xc: {  	[tilespmem:s2], [sflag:$0x1] =	stream.linear.gather [hbm4b:s4+s2], $0x3000, $0x38;
	[tilespmem:$0x5800] =	vst v63  }
0xd: {  	s11 =	simm.s32 $0x40;
	s12 =	simm.s32 $0x0  }
.LBB2_2:
0xe: {  	p0 =	sne.s32 s11, $0x9FC0;
	[tilespmem:s12+$0x3000] =	vst v0;
	s12 =	smov.u32 s11;
	s11 =	sadd.s32 $0x40, s11  }
.Ltmp0:
0xf: {  	(pc) =	sbr.rel @p0 .LBB2_2-.Ltmp0, $2  }
0x10: {  	_ =	sdelay $0x2  }
0x11: {  	s12 =	sshra.s32 s12, $0x2  }
0x12: {  	[tilespmem:s12+$0x3000] =	vst v0  }
0x13: {  	_ =	swait.ge [sflag:s7], $0x3000  }
0x14: {  	[sflag:s7] =	ssyncset.done $0x0  }
0x15: {  	s11 =	simm.s32 $0x0;
	s12 =	simm.s32 $0x40;
	[sflag:s7] =	ssyncadd.s32 $0xFFFFD000  }
.LBB2_4:
0x16: {  	p0 =	sge.u32 s11, s3  }
0x17: {  	v1 =	vld @!p0 [tilespmem:s12+$0xFFFFFFC0];
	_ =	sdelay $0x6  }
0x18: {  	v2 =	vimm.f32 @!p0 $1.000000000e+00;
	s13 =	simm.s32 @!p0 $0x3000  }
0x19: {  	[tilespmem:v1+s13+$0x0] =	vst.idx.add.f32.msk @!p0 $0xffff, v2  }
0x1a: {  	v1 =	vld @!p0 [tilespmem:s12+$0xFFFFFFD0];
	_ =	sdelay $0x7  }
0x1b: {  	[tilespmem:v1+s13+$0x0] =	vst.idx.add.f32.msk @!p0 $0xffff, v2  }
0x1c: {  	v1 =	vld @!p0 [tilespmem:s12+$0xFFFFFFE0];
	_ =	sdelay $0x7  }
0x1d: {  	[tilespmem:v1+s13+$0x0] =	vst.idx.add.f32.msk @!p0 $0xffff, v2  }
0x1e: {  	v1 =	vld @!p0 [tilespmem:s12+$0xFFFFFFF0];
	_ =	sdelay $0x7  }
0x1f: {  	[tilespmem:v1+s13+$0x0] =	vst.idx.add.f32.msk @!p0 $0xffff, v2  }
0x20: {  	v1 =	vld @!p0 [tilespmem:s12+$0x0];
	_ =	sdelay $0x7  }
0x21: {  	[tilespmem:v1+s13+$0x0] =	vst.idx.add.f32.msk @!p0 $0xffff, v2  }
0x22: {  	v1 =	vld @!p0 [tilespmem:s12+$0x10];
	_ =	sdelay $0x7  }
0x23: {  	[tilespmem:v1+s13+$0x0] =	vst.idx.add.f32.msk @!p0 $0xffff, v2  }
0x24: {  	v1 =	vld @!p0 [tilespmem:s12+$0x20];
	_ =	sdelay $0x7  }
0x25: {  	[tilespmem:v1+s13+$0x0] =	vst.idx.add.f32.msk @!p0 $0xffff, v2  }
0x26: {  	v1 =	vld @!p0 [tilespmem:s12+$0x30];
	_ =	sdelay $0x1  }
0x27: {  	s11 =	sadd.s32 $0x1, s11  }
0x28: {  	p1 =	sne.s32 s11, $0x60  }
.Ltmp1:
0x29: {  	_ = 	snop;
	(pc) =	sbr.rel @p1 .LBB2_4-.Ltmp1, $2  }
0x2a: {  	_ =	sdelay $0x2  }
0x2b: {  	s12 =	sadd.s32 $0x80, s12;
	[tilespmem:v1+s13+$0x0] =	vst.idx.add.f32.msk @!p0 $0xffff, v2  }
0x2c: {  	s10 =	sadd.s32 $0x1, s10  }
0x2d: {  	p0 =	sne.s32 s10, s6  }
.Ltmp2:
0x2e: {  	_ = 	snop;
	(pc) =	sbr.rel @p0 .LBB2_1-.Ltmp2, $4  }
0x2f: {  	[hbm4b:s5+s2] =	stream.linear.scatter [tilespmem:s8], [sflag:$0x2], $0x2800, $0x38;
	[tilespmem:$0x5800] =	vst v63  }
0x30: {  	_ =	swait.ge [sflag:s9], $0x2800  }
0x31: {  	[sflag:s9] =	ssyncset.done $0x0  }
0x32: {  	[sflag:s9] =	ssyncadd.s32 $0xFFFFD800  }
0x33: {  	_ =	sfence.sel $0x180000  }
0x34: {  	[bflag:$0x0] =	sbarrier.arrive $0xFFFF  }
0x35: {  	p0 =	sne.s32 s0, $0x0;
	_ =	strace $0x9000004A  }
0x36: {  	s0 =	sadd.s32 @!p0 $0x100000, s1;
	[bflag:$0x2] =	sbarrier.arrive $0xFFFF  }
0x37: {  	[sflag:s0] =	ssyncadd.tile.s32 @!p0 $0x1;
	_ =	shalt  }
.Lfunc_end2:
_tile_overlayer_lowered:
.L_overlay_start_2:
0x38: {  	(tag) =	ssettag $0x2  }
0x39: {  	s0 =	rddreg [dreg:$0x0];
	s2 =	stileid.u32  }
0x3a: {  	s1 =	rddreg [dreg:$0x1];
	p0 =	sne.s32 s2, $0x0  }
0x3b: {  	s3 =	rddreg [dreg:$0x2];
	[bflag:$0x3] =	sbarrier.arrive $0xFFFF;
	s2 =	simm.s32 @!p0 $0x1C02  }
0x3c: {  	[timem:s3], [sflag:s2] =	dma.local @!p0 [hbm:s0], s1  }
0x3d: {  	s0 =	simm.s32 @!p0 $0x2  }
0x3e: {  	_ =	swait.ge @!p0 [sflag:s0], s1  }
0x3f: {  	s1 =	ssub.s32 @!p0 $0x0, s1;
	[sflag:s0] =	ssyncset.done @!p0 $0x0  }
0x40: {  	[sflag:s0] =	ssyncadd.s32 @!p0 s1  }
0x41: {  	[bflag:$0x3] =	sbarrier.arrive $0xFFFF  }
0x42: {  	_ =	shalt  }

// kernel: kernel.14.cloned.1.call-start
scs
__scs_entry_jumppad:
0x0: {  	(pc) =	sbr.rel $0x88, $3  }
0x1: {  	(tag) =	ssettag $0x0;
	lr =	simm.s32 $0x1  }
0x2: {  	[smem:$0x3F8D] =	sst lr;
	_ =	strace $0xD0000000  }
0x3: {  	_ = 	snop  }
0x4: {  	_ = 	snop  }
0x5: {  	_ = 	snop  }
0x6: {  	_ = 	snop  }
0x7: {  	_ = 	snop  }
__scs_overlays_trampoline_lowered:
0x8: {  	[smem:$0x3F9C] =	sst s0  }
0x9: {  	[smem:$0x3F9D] =	sst s1  }
0xa: {  	[smem:$0x3F9E] =	sst s2  }
0xb: {  	[smem:$0x3F9F] =	sst s3  }
0xc: {  	[smem:$0x3FA0] =	sst s4  }
0xd: {  	[smem:$0x3FA1] =	sst s5  }
0xe: {  	[smem:$0x3FA2] =	sst s6  }
0xf: {  	[smem:$0x3FA3] =	sst s7  }
0x10: {  	[smem:$0x3FA4] =	sst s8  }
0x11: {  	[smem:$0x3FA5] =	sst s9;
	s0 =	simm.s32 @!p0 $0x0  }
0x12: {  	s1 =	sld [smem:$0x3F8B];
	s0 =	simm.s32 @p0 $0x1  }
0x13: {  	[smem:$0x3FA6] =	sst s0;
	s0 =	simm.s32 @!p1 $0x0  }
0x14: {  	s2 =	sld [smem:$0x3F8A];
	s0 =	simm.s32 @p1 $0x1  }
0x15: {  	[smem:$0x3FA7] =	sst s0;
	s0 =	simm.s32 @!p2 $0x0  }
0x16: {  	s3 =	sld [smem:$0x3FDB];
	s0 =	simm.s32 @p2 $0x1  }
0x17: {  	s4 =	simm.s32 $0x1BF5;
	[smem:$0x3FA9] =	sst s0  }
0x18: {  	s0 =	sld [smem:$0x3F8C];
	_ =	swait.ge [sflag:s4], $0x0  }
0x19: {  	s7 =	sld [smem:$0x3F8D]  }
0x1a: {  	s8 =	sadd.s32 $0xFFFFE003, lr  }
0x1b: {  	s9 =	sadd.s32 $0xFFFFFEF7, lr;
	s5 =	simm.s32 $0xFFFFFFFF;
	p2 =	slt.u32 s8, $0xFFFFF086  }
0x1c: {  	p1 =	slt.u32 s9, $0xF7A;
	s5 =	simm.s32 @!p2 $0x0  }
0x1d: {  	s5 =	simm.s32 @p1 $0x1;
	p0 =	seq.s32 s7, s2  }
0x1e: {  	s7 =	smul.u32 @!p0 $0xF7A, s2;
	p2 =	seq.s32 @!p0 s5, $0x0  }
0x1f: {  	s9 =	smul.u32 $0xF7A, s1;
	s8 =	simm.s32 @!p0 $0x1BF5;
	p2 =	por !p2, p0  }
0x20: {  	[sflag:s8] =	ssyncset.s32 @!p0 $0xFFFFF086;
	s6 =	sadd.s32 @!p0 s3, s7;
	s7 =	simm.s32 @!p0 $0x108  }
0x21: {  	s3 =	sadd.s32 s3, s9;
	s6 =	sadd.s32 @!p0 $0x88, s6;
	s7 =	simm.s32 @p2 $0x1082  }
0x22: {  	[simem:s7], [sflag:s8] =	dma.local @!p0 [hbm:s6], $0xF7A  }
0x23: {  	s9 =	sor.u32 $0xD0000000, s2;
	s6 =	simm.s32 $0x108;
	_ =	swait.ge @!p0 [sflag:s8], $0x0  }
0x24: {  	s3 =	sadd.s32 $0x88, s3;
	s6 =	simm.s32 @!p1 $0x1082;
	[sflag:s4] =	ssyncset.s32 $0xFFFFF086  }
0x25: {  	[simem:s6], [sflag:s4] =	dma.local [hbm:s3], $0xF7A  }
0x26: {  	[smem:$0x3F8D] =	sst s1;
	(tag) =	ssettag s2;
	_ =	strace s9  }
0x27: {  	s1 =	sld [smem:$0x3F9D]  }
0x28: {  	s2 =	sld [smem:$0x3F9E]  }
0x29: {  	s4 =	sld [smem:$0x3FA0]  }
0x2a: {  	p0 =	seq.s32 s5, $0x0;
	s5 =	sld [smem:$0x3FA1]  }
0x2b: {  	s6 =	sld [smem:$0x3FA2]  }
0x2c: {  	s7 =	sld [smem:$0x3FA3]  }
0x2d: {  	s3 =	simm.s32 $0x108;
	s8 =	sld [smem:$0x3FA4]  }
0x2e: {  	s3 =	simm.s32 @!p0 $0x1082;
	s9 =	sld [smem:$0x3FA5]  }
0x2f: {  	lr =	sadd.s32 s0, s3;
	s0 =	sld [smem:$0x3F9C]  }
0x30: {  	s3 =	sld [smem:$0x3F9F]  }
0x31: {  	[smem:$0x3FA8] =	sst s10  }
0x32: {  	s10 =	sld [smem:$0x3FA6];
	_ =	sdelay $0x3  }
0x33: {  	p0 =	seq.s32 s10, $0x1;
	s10 =	sld [smem:$0x3FA8];
	_ =	sdelay $0x3  }
0x34: {  	[smem:$0x3FA8] =	sst s10  }
0x35: {  	s10 =	sld [smem:$0x3FA7];
	_ =	sdelay $0x3  }
0x36: {  	p1 =	seq.s32 s10, $0x1;
	s10 =	sld [smem:$0x3FA8];
	_ =	sdelay $0x3  }
0x37: {  	[smem:$0x3FA8] =	sst s10  }
0x38: {  	s10 =	sld [smem:$0x3FA9]  }
0x39: {  	_ = 	snop;
	(pc) =	sbr.ind lr, $3  }
0x3a: {  	_ = 	snop  }
0x3b: {  	_ = 	snop  }
0x3c: {  	p2 =	seq.s32 s10, $0x1;
	s10 =	sld [smem:$0x3FA8]  }
0x3d: {  	_ =	shalt  }
0x3e: {  	_ =	shalt  }
0x3f: {  	_ =	shalt  }
0x40: {  	_ =	shalt  }
0x41: {  	_ =	shalt  }
0x42: {  	_ =	shalt  }
0x43: {  	_ =	shalt  }
0x44: {  	_ =	shalt  }
0x45: {  	_ =	shalt  }
0x46: {  	_ =	shalt  }
0x47: {  	_ =	shalt  }
0x48: {  	_ =	shalt  }
0x49: {  	_ =	shalt  }
0x4a: {  	_ =	shalt  }
0x4b: {  	_ =	shalt  }
0x4c: {  	_ =	shalt  }
0x4d: {  	_ =	shalt  }
0x4e: {  	_ =	shalt  }
0x4f: {  	_ =	shalt  }
0x50: {  	_ =	shalt  }
0x51: {  	_ =	shalt  }
0x52: {  	_ =	shalt  }
0x53: {  	_ =	shalt  }
0x54: {  	_ =	shalt  }
0x55: {  	_ =	shalt  }
0x56: {  	_ =	shalt  }
0x57: {  	_ =	shalt  }
0x58: {  	_ =	shalt  }
0x59: {  	_ =	shalt  }
0x5a: {  	_ =	shalt  }
0x5b: {  	_ =	shalt  }
0x5c: {  	_ =	shalt  }
0x5d: {  	_ =	shalt  }
0x5e: {  	_ =	shalt  }
0x5f: {  	_ =	shalt  }
0x60: {  	_ =	shalt  }
0x61: {  	_ =	shalt  }
0x62: {  	_ =	shalt  }
0x63: {  	_ =	shalt  }
0x64: {  	_ =	shalt  }
0x65: {  	_ =	shalt  }
0x66: {  	_ =	shalt  }
0x67: {  	_ =	shalt  }
0x68: {  	_ =	shalt  }
0x69: {  	_ =	shalt  }
0x6a: {  	_ =	shalt  }
0x6b: {  	_ =	shalt  }
0x6c: {  	_ =	shalt  }
0x6d: {  	_ =	shalt  }
0x6e: {  	_ =	shalt  }
0x6f: {  	_ =	shalt  }
0x70: {  	_ =	shalt  }
0x71: {  	_ =	shalt  }
0x72: {  	_ =	shalt  }
0x73: {  	_ =	shalt  }
0x74: {  	_ =	shalt  }
0x75: {  	_ =	shalt  }
0x76: {  	_ =	shalt  }
0x77: {  	_ =	shalt  }
0x78: {  	_ =	shalt  }
0x79: {  	_ =	shalt  }
0x7a: {  	_ =	shalt  }
0x7b: {  	_ =	shalt  }
0x7c: {  	_ =	shalt  }
0x7d: {  	_ =	shalt  }
0x7e: {  	_ =	shalt  }
0x7f: {  	_ =	shalt  }
0x80: {  	_ =	shalt  }
0x81: {  	_ =	shalt  }
0x82: {  	_ =	shalt  }
0x83: {  	_ =	shalt  }
0x84: {  	_ =	shalt  }
0x85: {  	_ =	shalt  }
0x86: {  	_ =	shalt  }
0x87: {  	_ =	shalt  }
.Lfunc_end0:
.L_simem_size_0:
called_computation.1_lowered:
.L_overlay_start_0:
0x88: {  	s2 =	sld [smem:$0x3FD9]  }
0x89: {  	s3 =	sld [smem:$0x3FFE];
	_ =	sdelay $0x1  }
0x8a: {  	s1 =	srdreg.scid  }
0x8b: {  	s0 =	sand.u32 $0x1, s1  }
0x8c: {  	s17 =	sshll.u32 s0, $0xA;
	s2 =	sadd.s32 s3, s2  }
0x8d: {  	s2 =	sadd.s32 s2, s17  }
0x8e: {  	[smem:$0x3FB4] =	sst s2  }
0x8f: {  	_ = 	snop  }
0x90: {  	s2 =	sld [smem:$0x3FC9];
	(tm) =	ssettm $0x1  }
0x91: {  	s18 =	sld [smem:$0x3FFB];
	_ =	sdelay $0x3  }
0x92: {  	_ =	strace s18  }
0x93: {  	s3 =	sld [smem:$0x3FFC];
	_ =	sdelay $0x3  }
0x94: {  	_ =	strace s3  }
0x95: {  	s3 =	sld [smem:$0x3FFD];
	_ =	sdelay $0x3  }
0x96: {  	_ =	strace s3  }
0x97: {  	_ =	strace $0x8FFFFFFF  }
0x98: {  	s19 =	sld [smem:$0x3FDB];
	_ =	sdelay $0x1  }
0x99: {  	s4 =	simm.s32 $_scs_section_size  }
0x9a: {  	s5 =	simm.s32 $_size__tile_overlayer_lowered;
	s6 =	simm.s32 $_tile_overlayer_lowered  }
0x9b: {  	s22 =	simm.s32 $0x1BFF;
	s21 =	sshll.u32 s6, $0x1;
	s3 =	sadd.s32 s4, s19  }
0x9c: {  	s7 =	simm.s32 $0x0;
	s20 =	sshll.u32 s5, $0x1;
	s5 =	sadd.s32 s21, s3  }
0x9d: {  	[timem:s7], [sflag:s22] =	dma.local [hbm:s5], s20  }
0x9e: {  	_ =	swait.ge [sflag:s22], s20  }
0x9f: {  	s4 =	ssub.s32 $0x0, s20;
	[sflag:s22] =	ssyncset.done $0x0  }
0xa0: {  	[sflag:s22] =	ssyncadd.s32 s4;
	_ =	sdelay $0x1  }
0xa1: {  	s23 =	simm.s32 $0x1B8B  }
0xa2: {  	_ =	swait.ge [sflag:s23], $0x1  }
0xa3: {  	[sflag:s23] =	ssyncset.done $0x0  }
0xa4: {  	s25 =	simm.s32 $0x1B8E;
	s24 =	sld [smem:$0x3FFE];
	[sflag:s23] =	ssyncadd.s32 $0xFFFFFFFF  }
0xa5: {  	s26 =	simm.s32 $execute0_lowered;
	[smem:$0x3FD2] =	sst s25  }
0xa6: {  	s5 =	sshll.u32 s26, $0x1;
	_ =	strace $0x80000046;
	[dreg:$0x1] =	wrdreg $0xFFFFFFFF  }
0xa7: {  	s28 =	simm.s32 $_size_execute0_lowered;
	s3 =	sadd.s32 s3, s5;
	[dreg:$0x0] =	wrdreg $0x0  }
0xa8: {  	s5 =	sshll.u32 s28, $0x1;
	[dreg:$0x2] =	wrdreg s3  }
0xa9: {  	[dreg:$0x3] =	wrdreg s5  }
0xaa: {  	[dreg:$0x4] =	wrdreg $0xC0  }
0xab: {  	_ =	task [dreg:s7], $0x5FFFF  }
0xac: {  	[dreg:$0x1] =	wrdreg $0xFFFFFFFF  }
0xad: {  	[dreg:$0x0] =	wrdreg $0x60  }
0xae: {  	[dreg:$0x2] =	wrdreg s2  }
0xaf: {  	[dreg:$0x3] =	wrdreg s24  }
0xb0: {  	[dreg:$0x4] =	wrdreg $0xA0000  }
0xb1: {  	[dreg:$0x5] =	wrdreg $0xA  }
0xb2: {  	_ =	task.clear_ibuf [dreg:s7], $0x6FFFF;
	_ =	strace $0x90000046  }
0xb3: {  	s29 =	simm.s32 $0xA;
	_ =	strace $0x80000048  }
0xb4: {  	_ =	swait.ge [sflag:s29], $0x1  }
0xb5: {  	[sflag:s29] =	ssyncadd.s32 $0xFFFFFFFF  }
0xb6: {  	_ =	strace $0x90000048  }
0xb7: {  	_ =	sfence  }
0xb8: {  	s30 =	sld [smem:$0x0];
	_ =	sdelay $0x2  }
0xb9: {  	s31 =	sshll.u32 s1, $0xD;
	s1 =	sshrl.u32 s1, $0x2  }
0xba: {  	s3 =	sand.u32 $0x4000, s31;
	s1 =	sadd.s32 s1, s30  }
0xbb: {  	s0 =	sor.u32 s3, s0;
	s1 =	sshll.u32 s1, $0x11  }
0xbc: {  	s0 =	sor.u32 s1, s0  }
0xbd: {  	s0 =	sadd.s32 $0x8F2B, s0  }
0xbe: {  	[sflag:s0] =	ssyncadd.remote.s32 $0x1  }
0xbf: {  	_ =	sfence.sel $0xFFFF  }
0xc0: {  	[dreg:$0x0] =	wrdreg $0xFFFFFFFF;
	(pc) =	sbr.abs _section_cstart, $3  }
0xc1: {  	[dreg:$0x1] =	wrdreg $0xFFFFFFFF  }
0xc2: {  	_ =	task.clear_ibuf [dreg:s7], $0x2FFFF;
	_ =	strace $0x9FFFFFFF  }
0xc3: {  	(tm) =	ssettm $0x7FFFFFFF  }
tec
execute0_lowered:
.L_overlay_start_1:
0x0: {  	(tag) =	ssettag $0x1  }
0x1: {  	s1 =	rddreg [dreg:$0x0]  }
0x2: {  	s5 =	rddreg [dreg:$0x1]  }
0x3: {  	s0 =	stileid.u32;
	s2 =	srdreg.scid  }
0x4: {  	s3 =	rddreg [dreg:$0x2];
	s14 =	simm.s32 $0x0;
	s4 =	smul.u32 $0x3D, s0  }
0x5: {  	s6 =	sand.u32 $0x1, s2;
	s7 =	smul.u32 $0x60, s0;
	s2 =	rddreg [dreg:$0x3]  }
0x6: {  	s9 =	smul.u32 $0x13C00, s0;
	s31 =	sshll.u32 s0, $0x6;
	p0 =	seq.s32 s6, $0x0  }
0x7: {  	s30 =	smul.u32 $0x13C000, s6;
	s6 =	ssub.s32 $0x2, s6;
	s8 =	sadd.s32 $0x600, s4  }
0x8: {  	s4 =	simm.s32 $0x0;
	s10 =	sshrl.u32 s9, $0x3;
	s11 =	sshrl.u32 s6, $0x1  }
0x9: {  	s13 =	sadd.s32 s9, s3;
	s8 =	smov.u32 @p0 s7;
	[smem:$0x7FF] =	sst s4  }
0xa: {  	s10 =	sadd.s32 s10, s5;
	s7 =	sshll.u32 s8, $0x4;
	s8 =	sadd.s32 s9, s30  }
0xb: {  	s11 =	ssub.s32 s6, s11;
	s13 =	sshrl.u32 s13, $0x3;
	s8 =	sshrl.u32 s8, $0x3  }
0xc: {  	_ =	strace $0x80000047;
	s7 =	sadd.s32 s7, s5;
	s12 =	sadd.s32 s8, s5  }
0xd: {  	s5 =	simm.s32 $0x60;
	s6 =	sadd.s32 $0xE400, s7;
	s7 =	sadd.s32 $0x4400, s7  }
0xe: {  	s8 =	sadd.s32 $0x18400, s10;
	s10 =	smax.u32 s11, $0x1;
	s11 =	simm.s32 $0x2  }
0xf: {  	s5 =	simm.s32 @!p0 $0x3D;
	s9 =	sadd.s32 $0x3FC00, s12;
	s12 =	sor.u32 $0x1C02, s31  }
.LBB2_1:
0x10: {  	[tilespmem:s4], [sflag:$0x2] =	stream.linear.gather [hbm4b:s6+s4], $0x3000, $0x38;
	[tilespmem:$0x1DC00] =	vst v63  }
0x11: {  	_ =	swait.ge [sflag:s11], $0x3000  }
0x12: {  	[sflag:s11] =	ssyncset.done $0x0  }
0x13: {  	s15 =	simm.s32 $0x3000;
	[sflag:s11] =	ssyncadd.s32 $0xFFFFD000  }
0x14: {  	[tilespmem:s15], [sflag:$0x2] =	stream.linear.gather [hbm4b:s7+s4], $0x3000, $0x38;
	[tilespmem:$0x1DC00] =	vst v63  }
0x15: {  	_ =	swait.ge [sflag:s11], $0x3000  }
0x16: {  	[sflag:s11] =	ssyncset.done $0x0  }
0x17: {  	[sflag:s11] =	ssyncadd.s32 $0xFFFFD000  }
0x18: {  	[spmem:s13], [sflag:s12] =	dma.local [hbm:s8], $0x2780  }
0x19: {  	_ =	swait.ge [sflag:s11], $0x2780  }
0x1a: {  	p0 =	sle.u32 s5, $0x0;
	[sflag:s11] =	ssyncset.done $0x0  }
0x1b: {  	s16 =	simm.s32 @!p0 $0x80;
	[sflag:s11] =	ssyncadd.s32 $0xFFFFD880  }
0x1c: {  	s17 =	simm.s32 @!p0 $0x6000;
	s18 =	simm.s32 @!p0 $0x1;
	[bflag:$0x0] =	sbarrier.arrive $0xFFFF  }
0x1d: {  	[tilespmem:s17], [sflag:$0x1] =	stream.indirect.gather @!p0 [hbm4b:s1+s16], $0x80, s4, s16, $0xb8;
	[tilespmem:$0x1DC00] =	vst v63  }
0x1e: {  	_ =	swait.ge @!p0 [sflag:s18], $0x4000  }
0x1f: {  	[sflag:s18] =	ssyncset.done @!p0 $0x0;
	p0 =	por p0, p0  }
0x20: {  	[sflag:s18] =	ssyncadd.s32 @!p0 $0xFFFFC000  }
0x21: {  	[spmem:s3] =	stream.indirect.scatter.add.f32 @!p0 [tilespmem:s17], [sflag:$0x2], $0x80, s15, s16, $0xb8;
	[tilespmem:$0x1DC00] =	vst v63  }
0x22: {  	p1 =	sle.u32 s5, $0x1;
	s18 =	simm.s32 @!p0 $0x2;
	s17 =	simm.s32 $0x2  }
0x23: {  	s15 =	simm.s32 $0x3080;
	s16 =	simm.s32 $0x80;
	_ =	swait.ge @!p0 [sflag:s18], $0x4000  }
.LBB2_2:
0x24: {  	s19 =	simm.s32 @!p1 $0x80;
	s20 =	simm.s32 @!p1 $0x6000;
	[sflag:s18] =	ssyncset.done @!p0 $0x0  }
0x25: {  	s21 =	smov.u32 s17;
	s22 =	smov.u32 s15;
	s17 =	sadd.s32 $0x1, s17  }
0x26: {  	s23 =	simm.s32 @!p1 $0x1;
	[sflag:s18] =	ssyncadd.s32 @!p0 $0xFFFFC000;
	p2 =	sne.s32 s17, $0x60  }
0x27: {  	[tilespmem:s20], [sflag:$0x1] =	stream.indirect.gather @!p1 [hbm4b:s1+s19], $0x80, s16, s19, $0xb8;
	[tilespmem:$0x1DC00] =	vst v63  }
.Ltmp0:
0x28: {  	_ =	swait.ge @!p1 [sflag:s23], $0x4000;
	(pc) =	sbr.rel @p2 .LBB2_2-.Ltmp0, $4  }
0x29: {  	p0 =	por p1, p1;
	[sflag:s23] =	ssyncset.done @!p1 $0x0  }
0x2a: {  	s15 =	sadd.s32 $0x80, s15;
	s18 =	simm.s32 @!p0 $0x2;
	[sflag:s23] =	ssyncadd.s32 @!p0 $0xFFFFC000  }
0x2b: {  	[spmem:s3] =	stream.indirect.scatter.add.f32 @!p0 [tilespmem:s20], [sflag:$0x2], $0x80, s22, s19, $0xb8;
	[tilespmem:$0x1DC00] =	vst v63  }
0x2c: {  	s16 =	sadd.s32 $0x80, s16;
	p1 =	sge.u32 s21, s5;
	_ =	swait.ge @!p0 [sflag:s18], $0x4000  }
0x2d: {  	s17 =	simm.s32 @!p1 $0x80;
	[sflag:s18] =	ssyncset.done @!p0 $0x0  }
0x2e: {  	s19 =	simm.s32 @!p1 $0x6000;
	s20 =	simm.s32 @!p1 $0x1;
	[sflag:s18] =	ssyncadd.s32 @!p0 $0xFFFFC000  }
0x2f: {  	[tilespmem:s19], [sflag:$0x1] =	stream.indirect.gather @!p1 [hbm4b:s1+s17], $0x80, s16, s17, $0xb8;
	[tilespmem:$0x1DC00] =	vst v63  }
0x30: {  	_ =	swait.ge @!p1 [sflag:s20], $0x4000  }
0x31: {  	p0 =	por p1, p1;
	[sflag:s20] =	ssyncset.done @!p1 $0x0  }
0x32: {  	s16 =	simm.s32 @!p0 $0x2;
	[sflag:s20] =	ssyncadd.s32 @!p0 $0xFFFFC000  }
0x33: {  	[spmem:s3] =	stream.indirect.scatter.add.f32 @!p0 [tilespmem:s19], [sflag:$0x2], $0x80, s15, s17, $0xb8;
	[tilespmem:$0x1DC00] =	vst v63  }
0x34: {  	_ =	swait.ge @!p0 [sflag:s16], $0x4000  }
0x35: {  	s14 =	sadd.s32 $0x1, s14;
	[sflag:s16] =	ssyncset.done @!p0 $0x0  }
0x36: {  	[sflag:s16] =	ssyncadd.s32 @!p0 $0xFFFFC000;
	p0 =	sne.s32 s14, s10  }
.Ltmp1:
0x37: {  	[bflag:$0x0] =	sbarrier.arrive $0xFFFF;
	(pc) =	sbr.rel @p0 .LBB2_1-.Ltmp1, $4  }
0x38: {  	[hbm:s9], [sflag:s12] =	dma.local [spmem:s13], $0x2780  }
0x39: {  	_ =	swait.ge [sflag:s11], $0x2780  }
0x3a: {  	[sflag:s11] =	ssyncset.done $0x0  }
0x3b: {  	[sflag:s11] =	ssyncadd.s32 $0xFFFFD880  }
0x3c: {  	_ =	sfence.sel $0x180000  }
0x3d: {  	[bflag:$0x0] =	sbarrier.arrive $0xFFFF  }
0x3e: {  	p0 =	sne.s32 s0, $0x0;
	_ =	strace $0x90000047  }
0x3f: {  	s0 =	sadd.s32 @!p0 $0x100000, s2;
	[bflag:$0x2] =	sbarrier.arrive $0xFFFF  }
0x40: {  	[sflag:s0] =	ssyncadd.tile.s32 @!p0 $0x1;
	_ =	shalt  }
.Lfunc_end2:
_tile_overlayer_lowered:
.L_overlay_start_2:
0x41: {  	(tag) =	ssettag $0x2  }
0x42: {  	s0 =	rddreg [dreg:$0x0];
	s2 =	stileid.u32  }
0x43: {  	s1 =	rddreg [dreg:$0x1];
	p0 =	sne.s32 s2, $0x0  }
0x44: {  	s3 =	rddreg [dreg:$0x2];
	[bflag:$0x3] =	sbarrier.arrive $0xFFFF;
	s2 =	simm.s32 @!p0 $0x1C02  }
0x45: {  	[timem:s3], [sflag:s2] =	dma.local @!p0 [hbm:s0], s1  }
0x46: {  	s0 =	simm.s32 @!p0 $0x2  }
0x47: {  	_ =	swait.ge @!p0 [sflag:s0], s1  }
0x48: {  	s1 =	ssub.s32 @!p0 $0x0, s1;
	[sflag:s0] =	ssyncset.done @!p0 $0x0  }
0x49: {  	[sflag:s0] =	ssyncadd.s32 @!p0 s1  }
0x4a: {  	[bflag:$0x3] =	sbarrier.arrive $0xFFFF  }
0x4b: {  	_ =	shalt  }

// kernel: kernel.17.cloned.1.call-start
scs
__scs_entry_jumppad:
0x0: {  	(pc) =	sbr.rel $0x88, $3  }
0x1: {  	(tag) =	ssettag $0x0;
	lr =	simm.s32 $0x1  }
0x2: {  	[smem:$0x3F8D] =	sst lr;
	_ =	strace $0xD0000000  }
0x3: {  	_ = 	snop  }
0x4: {  	_ = 	snop  }
0x5: {  	_ = 	snop  }
0x6: {  	_ = 	snop  }
0x7: {  	_ = 	snop  }
__scs_overlays_trampoline_lowered:
0x8: {  	[smem:$0x3F9C] =	sst s0  }
0x9: {  	[smem:$0x3F9D] =	sst s1  }
0xa: {  	[smem:$0x3F9E] =	sst s2  }
0xb: {  	[smem:$0x3F9F] =	sst s3  }
0xc: {  	[smem:$0x3FA0] =	sst s4  }
0xd: {  	[smem:$0x3FA1] =	sst s5  }
0xe: {  	[smem:$0x3FA2] =	sst s6  }
0xf: {  	[smem:$0x3FA3] =	sst s7  }
0x10: {  	[smem:$0x3FA4] =	sst s8  }
0x11: {  	[smem:$0x3FA5] =	sst s9;
	s0 =	simm.s32 @!p0 $0x0  }
0x12: {  	s1 =	sld [smem:$0x3F8B];
	s0 =	simm.s32 @p0 $0x1  }
0x13: {  	[smem:$0x3FA6] =	sst s0;
	s0 =	simm.s32 @!p1 $0x0  }
0x14: {  	s2 =	sld [smem:$0x3F8A];
	s0 =	simm.s32 @p1 $0x1  }
0x15: {  	[smem:$0x3FA7] =	sst s0;
	s0 =	simm.s32 @!p2 $0x0  }
0x16: {  	s3 =	sld [smem:$0x3FDB];
	s0 =	simm.s32 @p2 $0x1  }
0x17: {  	s4 =	simm.s32 $0x1BF5;
	[smem:$0x3FA9] =	sst s0  }
0x18: {  	s0 =	sld [smem:$0x3F8C];
	_ =	swait.ge [sflag:s4], $0x0  }
0x19: {  	s7 =	sld [smem:$0x3F8D]  }
0x1a: {  	s8 =	sadd.s32 $0xFFFFE003, lr  }
0x1b: {  	s9 =	sadd.s32 $0xFFFFFEF7, lr;
	s5 =	simm.s32 $0xFFFFFFFF;
	p2 =	slt.u32 s8, $0xFFFFF086  }
0x1c: {  	p1 =	slt.u32 s9, $0xF7A;
	s5 =	simm.s32 @!p2 $0x0  }
0x1d: {  	s5 =	simm.s32 @p1 $0x1;
	p0 =	seq.s32 s7, s2  }
0x1e: {  	s7 =	smul.u32 @!p0 $0xF7A, s2;
	p2 =	seq.s32 @!p0 s5, $0x0  }
0x1f: {  	s9 =	smul.u32 $0xF7A, s1;
	s8 =	simm.s32 @!p0 $0x1BF5;
	p2 =	por !p2, p0  }
0x20: {  	[sflag:s8] =	ssyncset.s32 @!p0 $0xFFFFF086;
	s6 =	sadd.s32 @!p0 s3, s7;
	s7 =	simm.s32 @!p0 $0x108  }
0x21: {  	s3 =	sadd.s32 s3, s9;
	s6 =	sadd.s32 @!p0 $0x88, s6;
	s7 =	simm.s32 @p2 $0x1082  }
0x22: {  	[simem:s7], [sflag:s8] =	dma.local @!p0 [hbm:s6], $0xF7A  }
0x23: {  	s9 =	sor.u32 $0xD0000000, s2;
	s6 =	simm.s32 $0x108;
	_ =	swait.ge @!p0 [sflag:s8], $0x0  }
0x24: {  	s3 =	sadd.s32 $0x88, s3;
	s6 =	simm.s32 @!p1 $0x1082;
	[sflag:s4] =	ssyncset.s32 $0xFFFFF086  }
0x25: {  	[simem:s6], [sflag:s4] =	dma.local [hbm:s3], $0xF7A  }
0x26: {  	[smem:$0x3F8D] =	sst s1;
	(tag) =	ssettag s2;
	_ =	strace s9  }
0x27: {  	s1 =	sld [smem:$0x3F9D]  }
0x28: {  	s2 =	sld [smem:$0x3F9E]  }
0x29: {  	s4 =	sld [smem:$0x3FA0]  }
0x2a: {  	p0 =	seq.s32 s5, $0x0;
	s5 =	sld [smem:$0x3FA1]  }
0x2b: {  	s6 =	sld [smem:$0x3FA2]  }
0x2c: {  	s7 =	sld [smem:$0x3FA3]  }
0x2d: {  	s3 =	simm.s32 $0x108;
	s8 =	sld [smem:$0x3FA4]  }
0x2e: {  	s3 =	simm.s32 @!p0 $0x1082;
	s9 =	sld [smem:$0x3FA5]  }
0x2f: {  	lr =	sadd.s32 s0, s3;
	s0 =	sld [smem:$0x3F9C]  }
0x30: {  	s3 =	sld [smem:$0x3F9F]  }
0x31: {  	[smem:$0x3FA8] =	sst s10  }
0x32: {  	s10 =	sld [smem:$0x3FA6];
	_ =	sdelay $0x3  }
0x33: {  	p0 =	seq.s32 s10, $0x1;
	s10 =	sld [smem:$0x3FA8];
	_ =	sdelay $0x3  }
0x34: {  	[smem:$0x3FA8] =	sst s10  }
0x35: {  	s10 =	sld [smem:$0x3FA7];
	_ =	sdelay $0x3  }
0x36: {  	p1 =	seq.s32 s10, $0x1;
	s10 =	sld [smem:$0x3FA8];
	_ =	sdelay $0x3  }
0x37: {  	[smem:$0x3FA8] =	sst s10  }
0x38: {  	s10 =	sld [smem:$0x3FA9]  }
0x39: {  	_ = 	snop;
	(pc) =	sbr.ind lr, $3  }
0x3a: {  	_ = 	snop  }
0x3b: {  	_ = 	snop  }
0x3c: {  	p2 =	seq.s32 s10, $0x1;
	s10 =	sld [smem:$0x3FA8]  }
0x3d: {  	_ =	shalt  }
0x3e: {  	_ =	shalt  }
0x3f: {  	_ =	shalt  }
0x40: {  	_ =	shalt  }
0x41: {  	_ =	shalt  }
0x42: {  	_ =	shalt  }
0x43: {  	_ =	shalt  }
0x44: {  	_ =	shalt  }
0x45: {  	_ =	shalt  }
0x46: {  	_ =	shalt  }
0x47: {  	_ =	shalt  }
0x48: {  	_ =	shalt  }
0x49: {  	_ =	shalt  }
0x4a: {  	_ =	shalt  }
0x4b: {  	_ =	shalt  }
0x4c: {  	_ =	shalt  }
0x4d: {  	_ =	shalt  }
0x4e: {  	_ =	shalt  }
0x4f: {  	_ =	shalt  }
0x50: {  	_ =	shalt  }
0x51: {  	_ =	shalt  }
0x52: {  	_ =	shalt  }
0x53: {  	_ =	shalt  }
0x54: {  	_ =	shalt  }
0x55: {  	_ =	shalt  }
0x56: {  	_ =	shalt  }
0x57: {  	_ =	shalt  }
0x58: {  	_ =	shalt  }
0x59: {  	_ =	shalt  }
0x5a: {  	_ =	shalt  }
0x5b: {  	_ =	shalt  }
0x5c: {  	_ =	shalt  }
0x5d: {  	_ =	shalt  }
0x5e: {  	_ =	shalt  }
0x5f: {  	_ =	shalt  }
0x60: {  	_ =	shalt  }
0x61: {  	_ =	shalt  }
0x62: {  	_ =	shalt  }
0x63: {  	_ =	shalt  }
0x64: {  	_ =	shalt  }
0x65: {  	_ =	shalt  }
0x66: {  	_ =	shalt  }
0x67: {  	_ =	shalt  }
0x68: {  	_ =	shalt  }
0x69: {  	_ =	shalt  }
0x6a: {  	_ =	shalt  }
0x6b: {  	_ =	shalt  }
0x6c: {  	_ =	shalt  }
0x6d: {  	_ =	shalt  }
0x6e: {  	_ =	shalt  }
0x6f: {  	_ =	shalt  }
0x70: {  	_ =	shalt  }
0x71: {  	_ =	shalt  }
0x72: {  	_ =	shalt  }
0x73: {  	_ =	shalt  }
0x74: {  	_ =	shalt  }
0x75: {  	_ =	shalt  }
0x76: {  	_ =	shalt  }
0x77: {  	_ =	shalt  }
0x78: {  	_ =	shalt  }
0x79: {  	_ =	shalt  }
0x7a: {  	_ =	shalt  }
0x7b: {  	_ =	shalt  }
0x7c: {  	_ =	shalt  }
0x7d: {  	_ =	shalt  }
0x7e: {  	_ =	shalt  }
0x7f: {  	_ =	shalt  }
0x80: {  	_ =	shalt  }
0x81: {  	_ =	shalt  }
0x82: {  	_ =	shalt  }
0x83: {  	_ =	shalt  }
0x84: {  	_ =	shalt  }
0x85: {  	_ =	shalt  }
0x86: {  	_ =	shalt  }
0x87: {  	_ =	shalt  }
.Lfunc_end0:
.L_simem_size_0:
called_computation.2_lowered:
.L_overlay_start_0:
0x88: {  	s2 =	sld [smem:$0x3FD9]  }
0x89: {  	s3 =	sld [smem:$0x3FFE];
	_ =	sdelay $0x1  }
0x8a: {  	s1 =	srdreg.scid  }
0x8b: {  	s0 =	sand.u32 $0x1, s1  }
0x8c: {  	s16 =	sshll.u32 s0, $0xA;
	s2 =	sadd.s32 s3, s2  }
0x8d: {  	s2 =	sadd.s32 s2, s16  }
0x8e: {  	[smem:$0x3FB4] =	sst s2  }
0x8f: {  	_ = 	snop  }
0x90: {  	(tm) =	ssettm $0x1  }
0x91: {  	s17 =	sld [smem:$0x3FFB];
	_ =	sdelay $0x3  }
0x92: {  	_ =	strace s17  }
0x93: {  	s2 =	sld [smem:$0x3FFC];
	_ =	sdelay $0x3  }
0x94: {  	_ =	strace s2  }
0x95: {  	s2 =	sld [smem:$0x3FFD];
	_ =	sdelay $0x3  }
0x96: {  	_ =	strace s2  }
0x97: {  	_ =	strace $0x8FFFFFFF  }
0x98: {  	s18 =	sld [smem:$0x3FDB];
	_ =	sdelay $0x1  }
0x99: {  	s19 =	simm.s32 $_scs_section_size  }
0x9a: {  	s4 =	simm.s32 $_size__tile_overlayer_lowered;
	s5 =	simm.s32 $_tile_overlayer_lowered  }
0x9b: {  	s22 =	simm.s32 $0x1BFF;
	s21 =	sshll.u32 s5, $0x1;
	s2 =	sadd.s32 s19, s18  }
0x9c: {  	s6 =	simm.s32 $0x0;
	s20 =	sshll.u32 s4, $0x1;
	s4 =	sadd.s32 s21, s2  }
0x9d: {  	[timem:s6], [sflag:s22] =	dma.local [hbm:s4], s20  }
0x9e: {  	_ =	swait.ge [sflag:s22], s20  }
0x9f: {  	s3 =	ssub.s32 $0x0, s20;
	[sflag:s22] =	ssyncset.done $0x0  }
0xa0: {  	[sflag:s22] =	ssyncadd.s32 s3;
	_ =	sdelay $0x1  }
0xa1: {  	s23 =	simm.s32 $0x1B8B  }
0xa2: {  	_ =	swait.ge [sflag:s23], $0x1  }
0xa3: {  	[sflag:s23] =	ssyncset.done $0x0  }
0xa4: {  	s25 =	simm.s32 $0x1B8E;
	s24 =	sld [smem:$0x3FFE];
	[sflag:s23] =	ssyncadd.s32 $0xFFFFFFFF  }
0xa5: {  	s26 =	simm.s32 $execute0_lowered;
	[smem:$0x3FD2] =	sst s25  }
0xa6: {  	s4 =	sshll.u32 s26, $0x1;
	_ =	strace $0x8000004C;
	[dreg:$0x1] =	wrdreg $0xFFFFFFFF  }
0xa7: {  	s28 =	simm.s32 $_size_execute0_lowered;
	s2 =	sadd.s32 s2, s4;
	[dreg:$0x0] =	wrdreg $0x0  }
0xa8: {  	s4 =	sshll.u32 s28, $0x1;
	[dreg:$0x2] =	wrdreg s2  }
0xa9: {  	[dreg:$0x3] =	wrdreg s4  }
0xaa: {  	[dreg:$0x4] =	wrdreg $0xC0  }
0xab: {  	_ =	task [dreg:s6], $0x5FFFF  }
0xac: {  	[dreg:$0x1] =	wrdreg $0xFFFFFFFF  }
0xad: {  	[dreg:$0x0] =	wrdreg $0x60  }
0xae: {  	[dreg:$0x2] =	wrdreg s24  }
0xaf: {  	[dreg:$0x3] =	wrdreg $0xA0000  }
0xb0: {  	[dreg:$0x4] =	wrdreg $0x9  }
0xb1: {  	_ =	task.clear_ibuf [dreg:s6], $0x5FFFF;
	_ =	strace $0x9000004C  }
0xb2: {  	s29 =	simm.s32 $0x9;
	_ =	strace $0x8000004E  }
0xb3: {  	_ =	swait.ge [sflag:s29], $0x1  }
0xb4: {  	[sflag:s29] =	ssyncadd.s32 $0xFFFFFFFF  }
0xb5: {  	_ =	strace $0x9000004E  }
0xb6: {  	_ =	sfence  }
0xb7: {  	s30 =	sld [smem:$0x0];
	_ =	sdelay $0x2  }
0xb8: {  	s31 =	sshll.u32 s1, $0xD;
	s1 =	sshrl.u32 s1, $0x2  }
0xb9: {  	s3 =	sand.u32 $0x4000, s31;
	s1 =	sadd.s32 s1, s30  }
0xba: {  	s0 =	sor.u32 s3, s0;
	s1 =	sshll.u32 s1, $0x11  }
0xbb: {  	s0 =	sor.u32 s1, s0  }
0xbc: {  	s0 =	sadd.s32 $0x8F2B, s0  }
0xbd: {  	[sflag:s0] =	ssyncadd.remote.s32 $0x1  }
0xbe: {  	_ =	sfence.sel $0xFFFF  }
0xbf: {  	[dreg:$0x0] =	wrdreg $0xFFFFFFFF;
	(pc) =	sbr.abs _section_cstart, $3  }
0xc0: {  	[dreg:$0x1] =	wrdreg $0xFFFFFFFF  }
0xc1: {  	_ =	task.clear_ibuf [dreg:s6], $0x2FFFF;
	_ =	strace $0x9FFFFFFF  }
0xc2: {  	(tm) =	ssettm $0x7FFFFFFF  }
0xc3: {  	_ =	shalt  }
tec
execute0_lowered:
.L_overlay_start_1:
0x0: {  	(tag) =	ssettag $0x1  }
0x1: {  	s5 =	rddreg [dreg:$0x0];
	s0 =	stileid.u32  }
0x2: {  	s1 =	srdreg.scid;
	s3 =	smul.u32 $0x3D, s0  }
0x3: {  	s2 =	rddreg [dreg:$0x1];
	s14 =	simm.s32 $0x0;
	s4 =	smul.u32 $0x60, s0  }
0x4: {  	s6 =	sand.u32 $0x1, s1;
	s1 =	rddreg [dreg:$0x2];
	s8 =	smul.u32 $0x13C00, s0  }
0x5: {  	s12 =	sshll.u32 s0, $0x6;
	p0 =	seq.s32 s6, $0x0;
	s9 =	smul.u32 $0x13C000, s6  }
0x6: {  	s6 =	ssub.s32 $0x2, s6;
	s12 =	sor.u32 $0x1C02, s12;
	s7 =	sadd.s32 $0x600, s3  }
0x7: {  	s3 =	simm.s32 $0x0;
	s10 =	sshrl.u32 s8, $0x3;
	s11 =	sshrl.u32 s6, $0x1  }
0x8: {  	s13 =	sadd.s32 s8, s2;
	s7 =	smov.u32 @p0 s4;
	[smem:$0x7FF] =	sst s3  }
0x9: {  	s4 =	sadd.s32 $0x66E00, s5;
	s9 =	sadd.s32 s8, s9;
	s10 =	sadd.s32 s10, s5  }
0xa: {  	s11 =	ssub.s32 s6, s11;
	s13 =	sshrl.u32 s13, $0x3;
	s7 =	sshll.u32 s7, $0x4  }
0xb: {  	_ =	strace $0x8000004D;
	s9 =	sshrl.u32 s9, $0x3;
	s8 =	sadd.s32 $0x18400, s10  }
0xc: {  	s7 =	sadd.s32 s7, s5;
	s9 =	sadd.s32 s9, s5;
	s5 =	simm.s32 $0x60  }
0xd: {  	s10 =	smax.u32 s11, $0x1;
	s11 =	simm.s32 $0x2;
	s5 =	simm.s32 @!p0 $0x3D  }
0xe: {  	s6 =	sadd.s32 $0xE400, s7;
	s7 =	sadd.s32 $0x4400, s7;
	s9 =	sadd.s32 $0x8E000, s9  }
.LBB2_1:
0xf: {  	[tilespmem:s3], [sflag:$0x2] =	stream.linear.gather [hbm4b:s6+s3], $0x3000, $0x38;
	[tilespmem:$0x1DC00] =	vst v63  }
0x10: {  	_ =	swait.ge [sflag:s11], $0x3000  }
0x11: {  	[sflag:s11] =	ssyncset.done $0x0  }
0x12: {  	s15 =	simm.s32 $0x3000;
	[sflag:s11] =	ssyncadd.s32 $0xFFFFD000  }
0x13: {  	[tilespmem:s15], [sflag:$0x2] =	stream.linear.gather [hbm4b:s7+s3], $0x3000, $0x38;
	[tilespmem:$0x1DC00] =	vst v63  }
0x14: {  	_ =	swait.ge [sflag:s11], $0x3000  }
0x15: {  	[sflag:s11] =	ssyncset.done $0x0  }
0x16: {  	[sflag:s11] =	ssyncadd.s32 $0xFFFFD000  }
0x17: {  	[spmem:s13], [sflag:s12] =	dma.local [hbm:s8], $0x2780  }
0x18: {  	_ =	swait.ge [sflag:s11], $0x2780  }
0x19: {  	p0 =	sle.u32 s5, $0x0;
	[sflag:s11] =	ssyncset.done $0x0  }
0x1a: {  	s16 =	simm.s32 @!p0 $0x80;
	[sflag:s11] =	ssyncadd.s32 $0xFFFFD880  }
0x1b: {  	s17 =	simm.s32 @!p0 $0x6000;
	s18 =	simm.s32 @!p0 $0x1;
	[bflag:$0x0] =	sbarrier.arrive $0xFFFF  }
0x1c: {  	[tilespmem:s17], [sflag:$0x1] =	stream.indirect.gather @!p0 [hbm4b:s4+s16], $0x80, s3, s16, $0xb8;
	[tilespmem:$0x1DC00] =	vst v63  }
0x1d: {  	_ =	swait.ge @!p0 [sflag:s18], $0x4000  }
0x1e: {  	[sflag:s18] =	ssyncset.done @!p0 $0x0;
	p0 =	por p0, p0  }
0x1f: {  	[sflag:s18] =	ssyncadd.s32 @!p0 $0xFFFFC000  }
0x20: {  	[spmem:s2] =	stream.indirect.scatter.add.f32 @!p0 [tilespmem:s17], [sflag:$0x2], $0x80, s15, s16, $0xb8;
	[tilespmem:$0x1DC00] =	vst v63  }
0x21: {  	p1 =	sle.u32 s5, $0x1;
	s18 =	simm.s32 @!p0 $0x2;
	s17 =	simm.s32 $0x2  }
0x22: {  	s15 =	simm.s32 $0x3080;
	s16 =	simm.s32 $0x80;
	_ =	swait.ge @!p0 [sflag:s18], $0x4000  }
.LBB2_2:
0x23: {  	s19 =	simm.s32 @!p1 $0x80;
	s20 =	simm.s32 @!p1 $0x6000;
	[sflag:s18] =	ssyncset.done @!p0 $0x0  }
0x24: {  	s21 =	smov.u32 s17;
	s22 =	smov.u32 s15;
	s17 =	sadd.s32 $0x1, s17  }
0x25: {  	s23 =	simm.s32 @!p1 $0x1;
	[sflag:s18] =	ssyncadd.s32 @!p0 $0xFFFFC000;
	p2 =	sne.s32 s17, $0x60  }
0x26: {  	[tilespmem:s20], [sflag:$0x1] =	stream.indirect.gather @!p1 [hbm4b:s4+s19], $0x80, s16, s19, $0xb8;
	[tilespmem:$0x1DC00] =	vst v63  }
.Ltmp0:
0x27: {  	_ =	swait.ge @!p1 [sflag:s23], $0x4000;
	(pc) =	sbr.rel @p2 .LBB2_2-.Ltmp0, $4  }
0x28: {  	p0 =	por p1, p1;
	[sflag:s23] =	ssyncset.done @!p1 $0x0  }
0x29: {  	s15 =	sadd.s32 $0x80, s15;
	s18 =	simm.s32 @!p0 $0x2;
	[sflag:s23] =	ssyncadd.s32 @!p0 $0xFFFFC000  }
0x2a: {  	[spmem:s2] =	stream.indirect.scatter.add.f32 @!p0 [tilespmem:s20], [sflag:$0x2], $0x80, s22, s19, $0xb8;
	[tilespmem:$0x1DC00] =	vst v63  }
0x2b: {  	s16 =	sadd.s32 $0x80, s16;
	p1 =	sge.u32 s21, s5;
	_ =	swait.ge @!p0 [sflag:s18], $0x4000  }
0x2c: {  	s17 =	simm.s32 @!p1 $0x80;
	[sflag:s18] =	ssyncset.done @!p0 $0x0  }
0x2d: {  	s19 =	simm.s32 @!p1 $0x6000;
	s20 =	simm.s32 @!p1 $0x1;
	[sflag:s18] =	ssyncadd.s32 @!p0 $0xFFFFC000  }
0x2e: {  	[tilespmem:s19], [sflag:$0x1] =	stream.indirect.gather @!p1 [hbm4b:s4+s17], $0x80, s16, s17, $0xb8;
	[tilespmem:$0x1DC00] =	vst v63  }
0x2f: {  	_ =	swait.ge @!p1 [sflag:s20], $0x4000  }
0x30: {  	p0 =	por p1, p1;
	[sflag:s20] =	ssyncset.done @!p1 $0x0  }
0x31: {  	s16 =	simm.s32 @!p0 $0x2;
	[sflag:s20] =	ssyncadd.s32 @!p0 $0xFFFFC000  }
0x32: {  	[spmem:s2] =	stream.indirect.scatter.add.f32 @!p0 [tilespmem:s19], [sflag:$0x2], $0x80, s15, s17, $0xb8;
	[tilespmem:$0x1DC00] =	vst v63  }
0x33: {  	_ =	swait.ge @!p0 [sflag:s16], $0x4000  }
0x34: {  	s14 =	sadd.s32 $0x1, s14;
	[sflag:s16] =	ssyncset.done @!p0 $0x0  }
0x35: {  	[sflag:s16] =	ssyncadd.s32 @!p0 $0xFFFFC000;
	p0 =	sne.s32 s14, s10  }
.Ltmp1:
0x36: {  	[bflag:$0x0] =	sbarrier.arrive $0xFFFF;
	(pc) =	sbr.rel @p0 .LBB2_1-.Ltmp1, $4  }
0x37: {  	[hbm:s9], [sflag:s12] =	dma.local [spmem:s13], $0x2780  }
0x38: {  	_ =	swait.ge [sflag:s11], $0x2780  }
0x39: {  	[sflag:s11] =	ssyncset.done $0x0  }
0x3a: {  	[sflag:s11] =	ssyncadd.s32 $0xFFFFD880  }
0x3b: {  	_ =	sfence.sel $0x180000  }
0x3c: {  	[bflag:$0x0] =	sbarrier.arrive $0xFFFF  }
0x3d: {  	p0 =	sne.s32 s0, $0x0;
	_ =	strace $0x9000004D  }
0x3e: {  	s0 =	sadd.s32 @!p0 $0x100000, s1;
	[bflag:$0x2] =	sbarrier.arrive $0xFFFF  }
0x3f: {  	[sflag:s0] =	ssyncadd.tile.s32 @!p0 $0x1;
	_ =	shalt  }
.Lfunc_end2:
_tile_overlayer_lowered:
.L_overlay_start_2:
0x40: {  	(tag) =	ssettag $0x2  }
0x41: {  	s0 =	rddreg [dreg:$0x0];
	s2 =	stileid.u32  }
0x42: {  	s1 =	rddreg [dreg:$0x1];
	p0 =	sne.s32 s2, $0x0  }
0x43: {  	s3 =	rddreg [dreg:$0x2];
	[bflag:$0x3] =	sbarrier.arrive $0xFFFF;
	s2 =	simm.s32 @!p0 $0x1C02  }
0x44: {  	[timem:s3], [sflag:s2] =	dma.local @!p0 [hbm:s0], s1  }
0x45: {  	s0 =	simm.s32 @!p0 $0x2  }
0x46: {  	_ =	swait.ge @!p0 [sflag:s0], s1  }
0x47: {  	s1 =	ssub.s32 @!p0 $0x0, s1;
	[sflag:s0] =	ssyncset.done @!p0 $0x0  }
0x48: {  	[sflag:s0] =	ssyncadd.s32 @!p0 s1  }
0x49: {  	[bflag:$0x3] =	sbarrier.arrive $0xFFFF  }
0x4a: {  	_ =	shalt  }

// kernel: kernel.20.cloned.1.call-start
scs
__scs_entry_jumppad:
0x0: {  	(pc) =	sbr.rel $0x88, $3  }
0x1: {  	(tag) =	ssettag $0x0;
	lr =	simm.s32 $0x1  }
0x2: {  	[smem:$0x3F8D] =	sst lr;
	_ =	strace $0xD0000000  }
0x3: {  	_ = 	snop  }
0x4: {  	_ = 	snop  }
0x5: {  	_ = 	snop  }
0x6: {  	_ = 	snop  }
0x7: {  	_ = 	snop  }
__scs_overlays_trampoline_lowered:
0x8: {  	[smem:$0x3F9C] =	sst s0  }
0x9: {  	[smem:$0x3F9D] =	sst s1  }
0xa: {  	[smem:$0x3F9E] =	sst s2  }
0xb: {  	[smem:$0x3F9F] =	sst s3  }
0xc: {  	[smem:$0x3FA0] =	sst s4  }
0xd: {  	[smem:$0x3FA1] =	sst s5  }
0xe: {  	[smem:$0x3FA2] =	sst s6  }
0xf: {  	[smem:$0x3FA3] =	sst s7  }
0x10: {  	[smem:$0x3FA4] =	sst s8  }
0x11: {  	[smem:$0x3FA5] =	sst s9;
	s0 =	simm.s32 @!p0 $0x0  }
0x12: {  	s1 =	sld [smem:$0x3F8B];
	s0 =	simm.s32 @p0 $0x1  }
0x13: {  	[smem:$0x3FA6] =	sst s0;
	s0 =	simm.s32 @!p1 $0x0  }
0x14: {  	s2 =	sld [smem:$0x3F8A];
	s0 =	simm.s32 @p1 $0x1  }
0x15: {  	[smem:$0x3FA7] =	sst s0;
	s0 =	simm.s32 @!p2 $0x0  }
0x16: {  	s3 =	sld [smem:$0x3FDB];
	s0 =	simm.s32 @p2 $0x1  }
0x17: {  	s4 =	simm.s32 $0x1BF5;
	[smem:$0x3FA9] =	sst s0  }
0x18: {  	s0 =	sld [smem:$0x3F8C];
	_ =	swait.ge [sflag:s4], $0x0  }
0x19: {  	s7 =	sld [smem:$0x3F8D]  }
0x1a: {  	s8 =	sadd.s32 $0xFFFFE003, lr  }
0x1b: {  	s9 =	sadd.s32 $0xFFFFFEF7, lr;
	s5 =	simm.s32 $0xFFFFFFFF;
	p2 =	slt.u32 s8, $0xFFFFF086  }
0x1c: {  	p1 =	slt.u32 s9, $0xF7A;
	s5 =	simm.s32 @!p2 $0x0  }
0x1d: {  	s5 =	simm.s32 @p1 $0x1;
	p0 =	seq.s32 s7, s2  }
0x1e: {  	s7 =	smul.u32 @!p0 $0xF7A, s2;
	p2 =	seq.s32 @!p0 s5, $0x0  }
0x1f: {  	s9 =	smul.u32 $0xF7A, s1;
	s8 =	simm.s32 @!p0 $0x1BF5;
	p2 =	por !p2, p0  }
0x20: {  	[sflag:s8] =	ssyncset.s32 @!p0 $0xFFFFF086;
	s6 =	sadd.s32 @!p0 s3, s7;
	s7 =	simm.s32 @!p0 $0x108  }
0x21: {  	s3 =	sadd.s32 s3, s9;
	s6 =	sadd.s32 @!p0 $0x88, s6;
	s7 =	simm.s32 @p2 $0x1082  }
0x22: {  	[simem:s7], [sflag:s8] =	dma.local @!p0 [hbm:s6], $0xF7A  }
0x23: {  	s9 =	sor.u32 $0xD0000000, s2;
	s6 =	simm.s32 $0x108;
	_ =	swait.ge @!p0 [sflag:s8], $0x0  }
0x24: {  	s3 =	sadd.s32 $0x88, s3;
	s6 =	simm.s32 @!p1 $0x1082;
	[sflag:s4] =	ssyncset.s32 $0xFFFFF086  }
0x25: {  	[simem:s6], [sflag:s4] =	dma.local [hbm:s3], $0xF7A  }
0x26: {  	[smem:$0x3F8D] =	sst s1;
	(tag) =	ssettag s2;
	_ =	strace s9  }
0x27: {  	s1 =	sld [smem:$0x3F9D]  }
0x28: {  	s2 =	sld [smem:$0x3F9E]  }
0x29: {  	s4 =	sld [smem:$0x3FA0]  }
0x2a: {  	p0 =	seq.s32 s5, $0x0;
	s5 =	sld [smem:$0x3FA1]  }
0x2b: {  	s6 =	sld [smem:$0x3FA2]  }
0x2c: {  	s7 =	sld [smem:$0x3FA3]  }
0x2d: {  	s3 =	simm.s32 $0x108;
	s8 =	sld [smem:$0x3FA4]  }
0x2e: {  	s3 =	simm.s32 @!p0 $0x1082;
	s9 =	sld [smem:$0x3FA5]  }
0x2f: {  	lr =	sadd.s32 s0, s3;
	s0 =	sld [smem:$0x3F9C]  }
0x30: {  	s3 =	sld [smem:$0x3F9F]  }
0x31: {  	[smem:$0x3FA8] =	sst s10  }
0x32: {  	s10 =	sld [smem:$0x3FA6];
	_ =	sdelay $0x3  }
0x33: {  	p0 =	seq.s32 s10, $0x1;
	s10 =	sld [smem:$0x3FA8];
	_ =	sdelay $0x3  }
0x34: {  	[smem:$0x3FA8] =	sst s10  }
0x35: {  	s10 =	sld [smem:$0x3FA7];
	_ =	sdelay $0x3  }
0x36: {  	p1 =	seq.s32 s10, $0x1;
	s10 =	sld [smem:$0x3FA8];
	_ =	sdelay $0x3  }
0x37: {  	[smem:$0x3FA8] =	sst s10  }
0x38: {  	s10 =	sld [smem:$0x3FA9]  }
0x39: {  	_ = 	snop;
	(pc) =	sbr.ind lr, $3  }
0x3a: {  	_ = 	snop  }
0x3b: {  	_ = 	snop  }
0x3c: {  	p2 =	seq.s32 s10, $0x1;
	s10 =	sld [smem:$0x3FA8]  }
0x3d: {  	_ =	shalt  }
0x3e: {  	_ =	shalt  }
0x3f: {  	_ =	shalt  }
0x40: {  	_ =	shalt  }
0x41: {  	_ =	shalt  }
0x42: {  	_ =	shalt  }
0x43: {  	_ =	shalt  }
0x44: {  	_ =	shalt  }
0x45: {  	_ =	shalt  }
0x46: {  	_ =	shalt  }
0x47: {  	_ =	shalt  }
0x48: {  	_ =	shalt  }
0x49: {  	_ =	shalt  }
0x4a: {  	_ =	shalt  }
0x4b: {  	_ =	shalt  }
0x4c: {  	_ =	shalt  }
0x4d: {  	_ =	shalt  }
0x4e: {  	_ =	shalt  }
0x4f: {  	_ =	shalt  }
0x50: {  	_ =	shalt  }
0x51: {  	_ =	shalt  }
0x52: {  	_ =	shalt  }
0x53: {  	_ =	shalt  }
0x54: {  	_ =	shalt  }
0x55: {  	_ =	shalt  }
0x56: {  	_ =	shalt  }
0x57: {  	_ =	shalt  }
0x58: {  	_ =	shalt  }
0x59: {  	_ =	shalt  }
0x5a: {  	_ =	shalt  }
0x5b: {  	_ =	shalt  }
0x5c: {  	_ =	shalt  }
0x5d: {  	_ =	shalt  }
0x5e: {  	_ =	shalt  }
0x5f: {  	_ =	shalt  }
0x60: {  	_ =	shalt  }
0x61: {  	_ =	shalt  }
0x62: {  	_ =	shalt  }
0x63: {  	_ =	shalt  }
0x64: {  	_ =	shalt  }
0x65: {  	_ =	shalt  }
0x66: {  	_ =	shalt  }
0x67: {  	_ =	shalt  }
0x68: {  	_ =	shalt  }
0x69: {  	_ =	shalt  }
0x6a: {  	_ =	shalt  }
0x6b: {  	_ =	shalt  }
0x6c: {  	_ =	shalt  }
0x6d: {  	_ =	shalt  }
0x6e: {  	_ =	shalt  }
0x6f: {  	_ =	shalt  }
0x70: {  	_ =	shalt  }
0x71: {  	_ =	shalt  }
0x72: {  	_ =	shalt  }
0x73: {  	_ =	shalt  }
0x74: {  	_ =	shalt  }
0x75: {  	_ =	shalt  }
0x76: {  	_ =	shalt  }
0x77: {  	_ =	shalt  }
0x78: {  	_ =	shalt  }
0x79: {  	_ =	shalt  }
0x7a: {  	_ =	shalt  }
0x7b: {  	_ =	shalt  }
0x7c: {  	_ =	shalt  }
0x7d: {  	_ =	shalt  }
0x7e: {  	_ =	shalt  }
0x7f: {  	_ =	shalt  }
0x80: {  	_ =	shalt  }
0x81: {  	_ =	shalt  }
0x82: {  	_ =	shalt  }
0x83: {  	_ =	shalt  }
0x84: {  	_ =	shalt  }
0x85: {  	_ =	shalt  }
0x86: {  	_ =	shalt  }
0x87: {  	_ =	shalt  }
.Lfunc_end0:
.L_simem_size_0:
called_computation.3_lowered:
.L_overlay_start_0:
0x88: {  	s2 =	sld [smem:$0x3FD9]  }
0x89: {  	s3 =	sld [smem:$0x3FFE];
	_ =	sdelay $0x1  }
0x8a: {  	s1 =	srdreg.scid  }
0x8b: {  	s0 =	sand.u32 $0x1, s1  }
0x8c: {  	s16 =	sshll.u32 s0, $0xA;
	s2 =	sadd.s32 s3, s2  }
0x8d: {  	s2 =	sadd.s32 s2, s16  }
0x8e: {  	[smem:$0x3FB4] =	sst s2  }
0x8f: {  	_ = 	snop  }
0x90: {  	(tm) =	ssettm $0x1  }
0x91: {  	s17 =	sld [smem:$0x3FFB];
	_ =	sdelay $0x3  }
0x92: {  	_ =	strace s17  }
0x93: {  	s2 =	sld [smem:$0x3FFC];
	_ =	sdelay $0x3  }
0x94: {  	_ =	strace s2  }
0x95: {  	s2 =	sld [smem:$0x3FFD];
	_ =	sdelay $0x3  }
0x96: {  	_ =	strace s2  }
0x97: {  	_ =	strace $0x8FFFFFFF  }
0x98: {  	s18 =	sld [smem:$0x3FDB];
	_ =	sdelay $0x1  }
0x99: {  	s19 =	simm.s32 $_scs_section_size  }
0x9a: {  	s4 =	simm.s32 $_size__tile_overlayer_lowered;
	s5 =	simm.s32 $_tile_overlayer_lowered  }
0x9b: {  	s22 =	simm.s32 $0x1BFF;
	s21 =	sshll.u32 s5, $0x1;
	s2 =	sadd.s32 s19, s18  }
0x9c: {  	s6 =	simm.s32 $0x0;
	s20 =	sshll.u32 s4, $0x1;
	s4 =	sadd.s32 s21, s2  }
0x9d: {  	[timem:s6], [sflag:s22] =	dma.local [hbm:s4], s20  }
0x9e: {  	_ =	swait.ge [sflag:s22], s20  }
0x9f: {  	s3 =	ssub.s32 $0x0, s20;
	[sflag:s22] =	ssyncset.done $0x0  }
0xa0: {  	[sflag:s22] =	ssyncadd.s32 s3;
	_ =	sdelay $0x1  }
0xa1: {  	s23 =	simm.s32 $0x1B8B  }
0xa2: {  	_ =	swait.ge [sflag:s23], $0x1  }
0xa3: {  	[sflag:s23] =	ssyncset.done $0x0  }
0xa4: {  	s25 =	simm.s32 $0x1B8E;
	s24 =	sld [smem:$0x3FFE];
	[sflag:s23] =	ssyncadd.s32 $0xFFFFFFFF  }
0xa5: {  	s26 =	simm.s32 $execute0_lowered;
	[smem:$0x3FD2] =	sst s25  }
0xa6: {  	s4 =	sshll.u32 s26, $0x1;
	_ =	strace $0x8000004F;
	[dreg:$0x1] =	wrdreg $0xFFFFFFFF  }
0xa7: {  	s28 =	simm.s32 $_size_execute0_lowered;
	s2 =	sadd.s32 s2, s4;
	[dreg:$0x0] =	wrdreg $0x0  }
0xa8: {  	s4 =	sshll.u32 s28, $0x1;
	[dreg:$0x2] =	wrdreg s2  }
0xa9: {  	[dreg:$0x3] =	wrdreg s4  }
0xaa: {  	[dreg:$0x4] =	wrdreg $0xC0  }
0xab: {  	_ =	task [dreg:s6], $0x5FFFF  }
0xac: {  	[dreg:$0x1] =	wrdreg $0xFFFFFFFF  }
0xad: {  	[dreg:$0x0] =	wrdreg $0x60  }
0xae: {  	[dreg:$0x2] =	wrdreg s24  }
0xaf: {  	[dreg:$0x3] =	wrdreg $0xA0000  }
0xb0: {  	[dreg:$0x4] =	wrdreg $0x9  }
0xb1: {  	_ =	task.clear_ibuf [dreg:s6], $0x5FFFF;
	_ =	strace $0x9000004F  }
0xb2: {  	s29 =	simm.s32 $0x9;
	_ =	strace $0x80000051  }
0xb3: {  	_ =	swait.ge [sflag:s29], $0x1  }
0xb4: {  	[sflag:s29] =	ssyncadd.s32 $0xFFFFFFFF  }
0xb5: {  	_ =	strace $0x90000051  }
0xb6: {  	_ =	sfence  }
0xb7: {  	s30 =	sld [smem:$0x0];
	_ =	sdelay $0x2  }
0xb8: {  	s31 =	sshll.u32 s1, $0xD;
	s1 =	sshrl.u32 s1, $0x2  }
0xb9: {  	s3 =	sand.u32 $0x4000, s31;
	s1 =	sadd.s32 s1, s30  }
0xba: {  	s0 =	sor.u32 s3, s0;
	s1 =	sshll.u32 s1, $0x11  }
0xbb: {  	s0 =	sor.u32 s1, s0  }
0xbc: {  	s0 =	sadd.s32 $0x8F2B, s0  }
0xbd: {  	[sflag:s0] =	ssyncadd.remote.s32 $0x1  }
0xbe: {  	_ =	sfence.sel $0xFFFF  }
0xbf: {  	[dreg:$0x0] =	wrdreg $0xFFFFFFFF;
	(pc) =	sbr.abs _section_cstart, $3  }
0xc0: {  	[dreg:$0x1] =	wrdreg $0xFFFFFFFF  }
0xc1: {  	_ =	task.clear_ibuf [dreg:s6], $0x2FFFF;
	_ =	strace $0x9FFFFFFF  }
0xc2: {  	(tm) =	ssettm $0x7FFFFFFF  }
0xc3: {  	_ =	shalt  }
tec
execute0_lowered:
.L_overlay_start_1:
0x0: {  	(tag) =	ssettag $0x1  }
0x1: {  	s5 =	rddreg [dreg:$0x0];
	s0 =	stileid.u32  }
0x2: {  	s1 =	srdreg.scid;
	s3 =	smul.u32 $0x3D, s0  }
0x3: {  	s2 =	rddreg [dreg:$0x1];
	s14 =	simm.s32 $0x0;
	s4 =	smul.u32 $0x60, s0  }
0x4: {  	s6 =	sand.u32 $0x1, s1;
	s1 =	rddreg [dreg:$0x2];
	s8 =	smul.u32 $0x13C00, s0  }
0x5: {  	s12 =	sshll.u32 s0, $0x6;
	p0 =	seq.s32 s6, $0x0;
	s9 =	smul.u32 $0x13C000, s6  }
0x6: {  	s6 =	ssub.s32 $0x2, s6;
	s12 =	sor.u32 $0x1C02, s12;
	s7 =	sadd.s32 $0x600, s3  }
0x7: {  	s3 =	simm.s32 $0x0;
	s10 =	sshrl.u32 s8, $0x3;
	s11 =	sshrl.u32 s6, $0x1  }
0x8: {  	s13 =	sadd.s32 s8, s2;
	s7 =	smov.u32 @p0 s4;
	[smem:$0x7FF] =	sst s3  }
0x9: {  	s4 =	sadd.s32 $0x66E00, s5;
	s9 =	sadd.s32 s8, s9;
	s10 =	sadd.s32 s10, s5  }
0xa: {  	s11 =	ssub.s32 s6, s11;
	s13 =	sshrl.u32 s13, $0x3;
	s7 =	sshll.u32 s7, $0x4  }
0xb: {  	_ =	strace $0x80000050;
	s9 =	sshrl.u32 s9, $0x3;
	s8 =	sadd.s32 $0x18400, s10  }
0xc: {  	s7 =	sadd.s32 s7, s5;
	s9 =	sadd.s32 s9, s5;
	s5 =	simm.s32 $0x60  }
0xd: {  	s10 =	smax.u32 s11, $0x1;
	s11 =	simm.s32 $0x2;
	s5 =	simm.s32 @!p0 $0x3D  }
0xe: {  	s6 =	sadd.s32 $0xE400, s7;
	s7 =	sadd.s32 $0x4400, s7;
	s9 =	sadd.s32 $0x8E000, s9  }
.LBB2_1:
0xf: {  	[tilespmem:s3], [sflag:$0x2] =	stream.linear.gather [hbm4b:s6+s3], $0x3000, $0x38;
	[tilespmem:$0x1DC00] =	vst v63  }
0x10: {  	_ =	swait.ge [sflag:s11], $0x3000  }
0x11: {  	[sflag:s11] =	ssyncset.done $0x0  }
0x12: {  	s15 =	simm.s32 $0x3000;
	[sflag:s11] =	ssyncadd.s32 $0xFFFFD000  }
0x13: {  	[tilespmem:s15], [sflag:$0x2] =	stream.linear.gather [hbm4b:s7+s3], $0x3000, $0x38;
	[tilespmem:$0x1DC00] =	vst v63  }
0x14: {  	_ =	swait.ge [sflag:s11], $0x3000  }
0x15: {  	[sflag:s11] =	ssyncset.done $0x0  }
0x16: {  	[sflag:s11] =	ssyncadd.s32 $0xFFFFD000  }
0x17: {  	[spmem:s13], [sflag:s12] =	dma.local [hbm:s8], $0x2780  }
0x18: {  	_ =	swait.ge [sflag:s11], $0x2780  }
0x19: {  	p0 =	sle.u32 s5, $0x0;
	[sflag:s11] =	ssyncset.done $0x0  }
0x1a: {  	s16 =	simm.s32 @!p0 $0x80;
	[sflag:s11] =	ssyncadd.s32 $0xFFFFD880  }
0x1b: {  	s17 =	simm.s32 @!p0 $0x6000;
	s18 =	simm.s32 @!p0 $0x1;
	[bflag:$0x0] =	sbarrier.arrive $0xFFFF  }
0x1c: {  	[tilespmem:s17], [sflag:$0x1] =	stream.indirect.gather @!p0 [hbm4b:s4+s16], $0x80, s3, s16, $0xb8;
	[tilespmem:$0x1DC00] =	vst v63  }
0x1d: {  	_ =	swait.ge @!p0 [sflag:s18], $0x4000  }
0x1e: {  	[sflag:s18] =	ssyncset.done @!p0 $0x0;
	p0 =	por p0, p0  }
0x1f: {  	[sflag:s18] =	ssyncadd.s32 @!p0 $0xFFFFC000  }
0x20: {  	[spmem:s2] =	stream.indirect.scatter.add.f32 @!p0 [tilespmem:s17], [sflag:$0x2], $0x80, s15, s16, $0xb8;
	[tilespmem:$0x1DC00] =	vst v63  }
0x21: {  	p1 =	sle.u32 s5, $0x1;
	s18 =	simm.s32 @!p0 $0x2;
	s17 =	simm.s32 $0x2  }
0x22: {  	s15 =	simm.s32 $0x3080;
	s16 =	simm.s32 $0x80;
	_ =	swait.ge @!p0 [sflag:s18], $0x4000  }
.LBB2_2:
0x23: {  	s19 =	simm.s32 @!p1 $0x80;
	s20 =	simm.s32 @!p1 $0x6000;
	[sflag:s18] =	ssyncset.done @!p0 $0x0  }
0x24: {  	s21 =	smov.u32 s17;
	s22 =	smov.u32 s15;
	s17 =	sadd.s32 $0x1, s17  }
0x25: {  	s23 =	simm.s32 @!p1 $0x1;
	[sflag:s18] =	ssyncadd.s32 @!p0 $0xFFFFC000;
	p2 =	sne.s32 s17, $0x60  }
0x26: {  	[tilespmem:s20], [sflag:$0x1] =	stream.indirect.gather @!p1 [hbm4b:s4+s19], $0x80, s16, s19, $0xb8;
	[tilespmem:$0x1DC00] =	vst v63  }
.Ltmp0:
0x27: {  	_ =	swait.ge @!p1 [sflag:s23], $0x4000;
	(pc) =	sbr.rel @p2 .LBB2_2-.Ltmp0, $4  }
0x28: {  	p0 =	por p1, p1;
	[sflag:s23] =	ssyncset.done @!p1 $0x0  }
0x29: {  	s15 =	sadd.s32 $0x80, s15;
	s18 =	simm.s32 @!p0 $0x2;
	[sflag:s23] =	ssyncadd.s32 @!p0 $0xFFFFC000  }
0x2a: {  	[spmem:s2] =	stream.indirect.scatter.add.f32 @!p0 [tilespmem:s20], [sflag:$0x2], $0x80, s22, s19, $0xb8;
	[tilespmem:$0x1DC00] =	vst v63  }
0x2b: {  	s16 =	sadd.s32 $0x80, s16;
	p1 =	sge.u32 s21, s5;
	_ =	swait.ge @!p0 [sflag:s18], $0x4000  }
0x2c: {  	s17 =	simm.s32 @!p1 $0x80;
	[sflag:s18] =	ssyncset.done @!p0 $0x0  }
0x2d: {  	s19 =	simm.s32 @!p1 $0x6000;
	s20 =	simm.s32 @!p1 $0x1;
	[sflag:s18] =	ssyncadd.s32 @!p0 $0xFFFFC000  }
0x2e: {  	[tilespmem:s19], [sflag:$0x1] =	stream.indirect.gather @!p1 [hbm4b:s4+s17], $0x80, s16, s17, $0xb8;
	[tilespmem:$0x1DC00] =	vst v63  }
0x2f: {  	_ =	swait.ge @!p1 [sflag:s20], $0x4000  }
0x30: {  	p0 =	por p1, p1;
	[sflag:s20] =	ssyncset.done @!p1 $0x0  }
0x31: {  	s16 =	simm.s32 @!p0 $0x2;
	[sflag:s20] =	ssyncadd.s32 @!p0 $0xFFFFC000  }
0x32: {  	[spmem:s2] =	stream.indirect.scatter.add.f32 @!p0 [tilespmem:s19], [sflag:$0x2], $0x80, s15, s17, $0xb8;
	[tilespmem:$0x1DC00] =	vst v63  }
0x33: {  	_ =	swait.ge @!p0 [sflag:s16], $0x4000  }
0x34: {  	s14 =	sadd.s32 $0x1, s14;
	[sflag:s16] =	ssyncset.done @!p0 $0x0  }
0x35: {  	[sflag:s16] =	ssyncadd.s32 @!p0 $0xFFFFC000;
	p0 =	sne.s32 s14, s10  }
.Ltmp1:
0x36: {  	[bflag:$0x0] =	sbarrier.arrive $0xFFFF;
	(pc) =	sbr.rel @p0 .LBB2_1-.Ltmp1, $4  }
0x37: {  	[hbm:s9], [sflag:s12] =	dma.local [spmem:s13], $0x2780  }
0x38: {  	_ =	swait.ge [sflag:s11], $0x2780  }
0x39: {  	[sflag:s11] =	ssyncset.done $0x0  }
0x3a: {  	[sflag:s11] =	ssyncadd.s32 $0xFFFFD880  }
0x3b: {  	_ =	sfence.sel $0x180000  }
0x3c: {  	[bflag:$0x0] =	sbarrier.arrive $0xFFFF  }
0x3d: {  	p0 =	sne.s32 s0, $0x0;
	_ =	strace $0x90000050  }
0x3e: {  	s0 =	sadd.s32 @!p0 $0x100000, s1;
	[bflag:$0x2] =	sbarrier.arrive $0xFFFF  }
0x3f: {  	[sflag:s0] =	ssyncadd.tile.s32 @!p0 $0x1;
	_ =	shalt  }
.Lfunc_end2:
_tile_overlayer_lowered:
.L_overlay_start_2:
0x40: {  	(tag) =	ssettag $0x2  }
0x41: {  	s0 =	rddreg [dreg:$0x0];
	s2 =	stileid.u32  }
0x42: {  	s1 =	rddreg [dreg:$0x1];
	p0 =	sne.s32 s2, $0x0  }
0x43: {  	s3 =	rddreg [dreg:$0x2];
	[bflag:$0x3] =	sbarrier.arrive $0xFFFF;
	s2 =	simm.s32 @!p0 $0x1C02  }
0x44: {  	[timem:s3], [sflag:s2] =	dma.local @!p0 [hbm:s0], s1  }
0x45: {  	s0 =	simm.s32 @!p0 $0x2  }
0x46: {  	_ =	swait.ge @!p0 [sflag:s0], s1  }
0x47: {  	s1 =	ssub.s32 @!p0 $0x0, s1;
	[sflag:s0] =	ssyncset.done @!p0 $0x0  }
0x48: {  	[sflag:s0] =	ssyncadd.s32 @!p0 s1  }
0x49: {  	[bflag:$0x3] =	sbarrier.arrive $0xFFFF  }
0x4a: {  	_ =	shalt  }

// kernel: kernel.23.cloned.1.call-start
scs
__scs_entry_jumppad:
0x0: {  	(pc) =	sbr.rel $0x88, $3  }
0x1: {  	(tag) =	ssettag $0x0;
	lr =	simm.s32 $0x1  }
0x2: {  	[smem:$0x3F8D] =	sst lr;
	_ =	strace $0xD0000000  }
0x3: {  	_ = 	snop  }
0x4: {  	_ = 	snop  }
0x5: {  	_ = 	snop  }
0x6: {  	_ = 	snop  }
0x7: {  	_ = 	snop  }
__scs_overlays_trampoline_lowered:
0x8: {  	[smem:$0x3F9C] =	sst s0  }
0x9: {  	[smem:$0x3F9D] =	sst s1  }
0xa: {  	[smem:$0x3F9E] =	sst s2  }
0xb: {  	[smem:$0x3F9F] =	sst s3  }
0xc: {  	[smem:$0x3FA0] =	sst s4  }
0xd: {  	[smem:$0x3FA1] =	sst s5  }
0xe: {  	[smem:$0x3FA2] =	sst s6  }
0xf: {  	[smem:$0x3FA3] =	sst s7  }
0x10: {  	[smem:$0x3FA4] =	sst s8  }
0x11: {  	[smem:$0x3FA5] =	sst s9;
	s0 =	simm.s32 @!p0 $0x0  }
0x12: {  	s1 =	sld [smem:$0x3F8B];
	s0 =	simm.s32 @p0 $0x1  }
0x13: {  	[smem:$0x3FA6] =	sst s0;
	s0 =	simm.s32 @!p1 $0x0  }
0x14: {  	s2 =	sld [smem:$0x3F8A];
	s0 =	simm.s32 @p1 $0x1  }
0x15: {  	[smem:$0x3FA7] =	sst s0;
	s0 =	simm.s32 @!p2 $0x0  }
0x16: {  	s3 =	sld [smem:$0x3FDB];
	s0 =	simm.s32 @p2 $0x1  }
0x17: {  	s4 =	simm.s32 $0x1BF5;
	[smem:$0x3FA9] =	sst s0  }
0x18: {  	s0 =	sld [smem:$0x3F8C];
	_ =	swait.ge [sflag:s4], $0x0  }
0x19: {  	s7 =	sld [smem:$0x3F8D]  }
0x1a: {  	s8 =	sadd.s32 $0xFFFFE003, lr  }
0x1b: {  	s9 =	sadd.s32 $0xFFFFFEF7, lr;
	s5 =	simm.s32 $0xFFFFFFFF;
	p2 =	slt.u32 s8, $0xFFFFF086  }
0x1c: {  	p1 =	slt.u32 s9, $0xF7A;
	s5 =	simm.s32 @!p2 $0x0  }
0x1d: {  	s5 =	simm.s32 @p1 $0x1;
	p0 =	seq.s32 s7, s2  }
0x1e: {  	s7 =	smul.u32 @!p0 $0xF7A, s2;
	p2 =	seq.s32 @!p0 s5, $0x0  }
0x1f: {  	s9 =	smul.u32 $0xF7A, s1;
	s8 =	simm.s32 @!p0 $0x1BF5;
	p2 =	por !p2, p0  }
0x20: {  	[sflag:s8] =	ssyncset.s32 @!p0 $0xFFFFF086;
	s6 =	sadd.s32 @!p0 s3, s7;
	s7 =	simm.s32 @!p0 $0x108  }
0x21: {  	s3 =	sadd.s32 s3, s9;
	s6 =	sadd.s32 @!p0 $0x88, s6;
	s7 =	simm.s32 @p2 $0x1082  }
0x22: {  	[simem:s7], [sflag:s8] =	dma.local @!p0 [hbm:s6], $0xF7A  }
0x23: {  	s9 =	sor.u32 $0xD0000000, s2;
	s6 =	simm.s32 $0x108;
	_ =	swait.ge @!p0 [sflag:s8], $0x0  }
0x24: {  	s3 =	sadd.s32 $0x88, s3;
	s6 =	simm.s32 @!p1 $0x1082;
	[sflag:s4] =	ssyncset.s32 $0xFFFFF086  }
0x25: {  	[simem:s6], [sflag:s4] =	dma.local [hbm:s3], $0xF7A  }
0x26: {  	[smem:$0x3F8D] =	sst s1;
	(tag) =	ssettag s2;
	_ =	strace s9  }
0x27: {  	s1 =	sld [smem:$0x3F9D]  }
0x28: {  	s2 =	sld [smem:$0x3F9E]  }
0x29: {  	s4 =	sld [smem:$0x3FA0]  }
0x2a: {  	p0 =	seq.s32 s5, $0x0;
	s5 =	sld [smem:$0x3FA1]  }
0x2b: {  	s6 =	sld [smem:$0x3FA2]  }
0x2c: {  	s7 =	sld [smem:$0x3FA3]  }
0x2d: {  	s3 =	simm.s32 $0x108;
	s8 =	sld [smem:$0x3FA4]  }
0x2e: {  	s3 =	simm.s32 @!p0 $0x1082;
	s9 =	sld [smem:$0x3FA5]  }
0x2f: {  	lr =	sadd.s32 s0, s3;
	s0 =	sld [smem:$0x3F9C]  }
0x30: {  	s3 =	sld [smem:$0x3F9F]  }
0x31: {  	[smem:$0x3FA8] =	sst s10  }
0x32: {  	s10 =	sld [smem:$0x3FA6];
	_ =	sdelay $0x3  }
0x33: {  	p0 =	seq.s32 s10, $0x1;
	s10 =	sld [smem:$0x3FA8];
	_ =	sdelay $0x3  }
0x34: {  	[smem:$0x3FA8] =	sst s10  }
0x35: {  	s10 =	sld [smem:$0x3FA7];
	_ =	sdelay $0x3  }
0x36: {  	p1 =	seq.s32 s10, $0x1;
	s10 =	sld [smem:$0x3FA8];
	_ =	sdelay $0x3  }
0x37: {  	[smem:$0x3FA8] =	sst s10  }
0x38: {  	s10 =	sld [smem:$0x3FA9]  }
0x39: {  	_ = 	snop;
	(pc) =	sbr.ind lr, $3  }
0x3a: {  	_ = 	snop  }
0x3b: {  	_ = 	snop  }
0x3c: {  	p2 =	seq.s32 s10, $0x1;
	s10 =	sld [smem:$0x3FA8]  }
0x3d: {  	_ =	shalt  }
0x3e: {  	_ =	shalt  }
0x3f: {  	_ =	shalt  }
0x40: {  	_ =	shalt  }
0x41: {  	_ =	shalt  }
0x42: {  	_ =	shalt  }
0x43: {  	_ =	shalt  }
0x44: {  	_ =	shalt  }
0x45: {  	_ =	shalt  }
0x46: {  	_ =	shalt  }
0x47: {  	_ =	shalt  }
0x48: {  	_ =	shalt  }
0x49: {  	_ =	shalt  }
0x4a: {  	_ =	shalt  }
0x4b: {  	_ =	shalt  }
0x4c: {  	_ =	shalt  }
0x4d: {  	_ =	shalt  }
0x4e: {  	_ =	shalt  }
0x4f: {  	_ =	shalt  }
0x50: {  	_ =	shalt  }
0x51: {  	_ =	shalt  }
0x52: {  	_ =	shalt  }
0x53: {  	_ =	shalt  }
0x54: {  	_ =	shalt  }
0x55: {  	_ =	shalt  }
0x56: {  	_ =	shalt  }
0x57: {  	_ =	shalt  }
0x58: {  	_ =	shalt  }
0x59: {  	_ =	shalt  }
0x5a: {  	_ =	shalt  }
0x5b: {  	_ =	shalt  }
0x5c: {  	_ =	shalt  }
0x5d: {  	_ =	shalt  }
0x5e: {  	_ =	shalt  }
0x5f: {  	_ =	shalt  }
0x60: {  	_ =	shalt  }
0x61: {  	_ =	shalt  }
0x62: {  	_ =	shalt  }
0x63: {  	_ =	shalt  }
0x64: {  	_ =	shalt  }
0x65: {  	_ =	shalt  }
0x66: {  	_ =	shalt  }
0x67: {  	_ =	shalt  }
0x68: {  	_ =	shalt  }
0x69: {  	_ =	shalt  }
0x6a: {  	_ =	shalt  }
0x6b: {  	_ =	shalt  }
0x6c: {  	_ =	shalt  }
0x6d: {  	_ =	shalt  }
0x6e: {  	_ =	shalt  }
0x6f: {  	_ =	shalt  }
0x70: {  	_ =	shalt  }
0x71: {  	_ =	shalt  }
0x72: {  	_ =	shalt  }
0x73: {  	_ =	shalt  }
0x74: {  	_ =	shalt  }
0x75: {  	_ =	shalt  }
0x76: {  	_ =	shalt  }
0x77: {  	_ =	shalt  }
0x78: {  	_ =	shalt  }
0x79: {  	_ =	shalt  }
0x7a: {  	_ =	shalt  }
0x7b: {  	_ =	shalt  }
0x7c: {  	_ =	shalt  }
0x7d: {  	_ =	shalt  }
0x7e: {  	_ =	shalt  }
0x7f: {  	_ =	shalt  }
0x80: {  	_ =	shalt  }
0x81: {  	_ =	shalt  }
0x82: {  	_ =	shalt  }
0x83: {  	_ =	shalt  }
0x84: {  	_ =	shalt  }
0x85: {  	_ =	shalt  }
0x86: {  	_ =	shalt  }
0x87: {  	_ =	shalt  }
.Lfunc_end0:
.L_simem_size_0:
called_computation.4_lowered:
.L_overlay_start_0:
0x88: {  	s2 =	sld [smem:$0x3FD9]  }
0x89: {  	s3 =	sld [smem:$0x3FFE];
	_ =	sdelay $0x1  }
0x8a: {  	s1 =	srdreg.scid  }
0x8b: {  	s0 =	sand.u32 $0x1, s1  }
0x8c: {  	s16 =	sshll.u32 s0, $0xA;
	s2 =	sadd.s32 s3, s2  }
0x8d: {  	s2 =	sadd.s32 s2, s16  }
0x8e: {  	[smem:$0x3FB4] =	sst s2  }
0x8f: {  	_ = 	snop  }
0x90: {  	(tm) =	ssettm $0x1  }
0x91: {  	s17 =	sld [smem:$0x3FFB];
	_ =	sdelay $0x3  }
0x92: {  	_ =	strace s17  }
0x93: {  	s2 =	sld [smem:$0x3FFC];
	_ =	sdelay $0x3  }
0x94: {  	_ =	strace s2  }
0x95: {  	s2 =	sld [smem:$0x3FFD];
	_ =	sdelay $0x3  }
0x96: {  	_ =	strace s2  }
0x97: {  	_ =	strace $0x8FFFFFFF  }
0x98: {  	s18 =	sld [smem:$0x3FDB];
	_ =	sdelay $0x1  }
0x99: {  	s19 =	simm.s32 $_scs_section_size  }
0x9a: {  	s4 =	simm.s32 $_size__tile_overlayer_lowered;
	s5 =	simm.s32 $_tile_overlayer_lowered  }
0x9b: {  	s22 =	simm.s32 $0x1BFF;
	s21 =	sshll.u32 s5, $0x1;
	s2 =	sadd.s32 s19, s18  }
0x9c: {  	s6 =	simm.s32 $0x0;
	s20 =	sshll.u32 s4, $0x1;
	s4 =	sadd.s32 s21, s2  }
0x9d: {  	[timem:s6], [sflag:s22] =	dma.local [hbm:s4], s20  }
0x9e: {  	_ =	swait.ge [sflag:s22], s20  }
0x9f: {  	s3 =	ssub.s32 $0x0, s20;
	[sflag:s22] =	ssyncset.done $0x0  }
0xa0: {  	[sflag:s22] =	ssyncadd.s32 s3;
	_ =	sdelay $0x1  }
0xa1: {  	s23 =	simm.s32 $0x1B8B  }
0xa2: {  	_ =	swait.ge [sflag:s23], $0x1  }
0xa3: {  	[sflag:s23] =	ssyncset.done $0x0  }
0xa4: {  	s25 =	simm.s32 $0x1B8E;
	s24 =	sld [smem:$0x3FFE];
	[sflag:s23] =	ssyncadd.s32 $0xFFFFFFFF  }
0xa5: {  	s26 =	simm.s32 $execute0_lowered;
	[smem:$0x3FD2] =	sst s25  }
0xa6: {  	s4 =	sshll.u32 s26, $0x1;
	_ =	strace $0x80000052;
	[dreg:$0x1] =	wrdreg $0xFFFFFFFF  }
0xa7: {  	s28 =	simm.s32 $_size_execute0_lowered;
	s2 =	sadd.s32 s2, s4;
	[dreg:$0x0] =	wrdreg $0x0  }
0xa8: {  	s4 =	sshll.u32 s28, $0x1;
	[dreg:$0x2] =	wrdreg s2  }
0xa9: {  	[dreg:$0x3] =	wrdreg s4  }
0xaa: {  	[dreg:$0x4] =	wrdreg $0xC0  }
0xab: {  	_ =	task [dreg:s6], $0x5FFFF  }
0xac: {  	[dreg:$0x1] =	wrdreg $0xFFFFFFFF  }
0xad: {  	[dreg:$0x0] =	wrdreg $0x60  }
0xae: {  	[dreg:$0x2] =	wrdreg s24  }
0xaf: {  	[dreg:$0x3] =	wrdreg $0x70000  }
0xb0: {  	[dreg:$0x4] =	wrdreg $0x9  }
0xb1: {  	_ =	task.clear_ibuf [dreg:s6], $0x5FFFF;
	_ =	strace $0x90000052  }
0xb2: {  	s29 =	simm.s32 $0x9;
	_ =	strace $0x80000054  }
0xb3: {  	_ =	swait.ge [sflag:s29], $0x1  }
0xb4: {  	[sflag:s29] =	ssyncadd.s32 $0xFFFFFFFF  }
0xb5: {  	_ =	strace $0x90000054  }
0xb6: {  	_ =	sfence  }
0xb7: {  	s30 =	sld [smem:$0x0];
	_ =	sdelay $0x2  }
0xb8: {  	s31 =	sshll.u32 s1, $0xD;
	s1 =	sshrl.u32 s1, $0x2  }
0xb9: {  	s3 =	sand.u32 $0x4000, s31;
	s1 =	sadd.s32 s1, s30  }
0xba: {  	s0 =	sor.u32 s3, s0;
	s1 =	sshll.u32 s1, $0x11  }
0xbb: {  	s0 =	sor.u32 s1, s0  }
0xbc: {  	s0 =	sadd.s32 $0x8F2B, s0  }
0xbd: {  	[sflag:s0] =	ssyncadd.remote.s32 $0x1  }
0xbe: {  	_ =	sfence.sel $0xFFFF  }
0xbf: {  	[dreg:$0x0] =	wrdreg $0xFFFFFFFF;
	(pc) =	sbr.abs _section_cstart, $3  }
0xc0: {  	[dreg:$0x1] =	wrdreg $0xFFFFFFFF  }
0xc1: {  	_ =	task.clear_ibuf [dreg:s6], $0x2FFFF;
	_ =	strace $0x9FFFFFFF  }
0xc2: {  	(tm) =	ssettm $0x7FFFFFFF  }
0xc3: {  	_ =	shalt  }
tec
execute0_lowered:
.L_overlay_start_1:
0x0: {  	(tag) =	ssettag $0x1  }
0x1: {  	s5 =	rddreg [dreg:$0x0];
	s0 =	stileid.u32  }
0x2: {  	s1 =	srdreg.scid;
	s3 =	smul.u32 $0x3D, s0  }
0x3: {  	s2 =	rddreg [dreg:$0x1];
	s14 =	simm.s32 $0x0;
	s4 =	smul.u32 $0x60, s0  }
0x4: {  	s6 =	sand.u32 $0x1, s1;
	s1 =	rddreg [dreg:$0x2];
	s8 =	smul.u32 $0x4F00, s0  }
0x5: {  	s12 =	sshll.u32 s0, $0x6;
	p0 =	seq.s32 s6, $0x0;
	s9 =	smul.u32 $0x4F000, s6  }
0x6: {  	s6 =	ssub.s32 $0x2, s6;
	s12 =	sor.u32 $0x1C02, s12;
	s7 =	sadd.s32 $0x600, s3  }
0x7: {  	s3 =	simm.s32 $0x0;
	s10 =	sshrl.u32 s8, $0x3;
	s11 =	sshrl.u32 s6, $0x1  }
0x8: {  	s13 =	sadd.s32 s8, s2;
	s7 =	smov.u32 @p0 s4;
	[smem:$0x7FF] =	sst s3  }
0x9: {  	s4 =	sadd.s32 $0x66E00, s5;
	s9 =	sadd.s32 s8, s9;
	s10 =	sadd.s32 s10, s5  }
0xa: {  	s11 =	ssub.s32 s6, s11;
	s13 =	sshrl.u32 s13, $0x3;
	s7 =	sshll.u32 s7, $0x4  }
0xb: {  	_ =	strace $0x80000053;
	s9 =	sshrl.u32 s9, $0x3;
	s8 =	sadd.s32 $0x70C00, s10  }
0xc: {  	s7 =	sadd.s32 s7, s5;
	s9 =	sadd.s32 s9, s5;
	s5 =	simm.s32 $0x60  }
0xd: {  	s10 =	smax.u32 s11, $0x1;
	s11 =	simm.s32 $0x2;
	s5 =	simm.s32 @!p0 $0x3D  }
0xe: {  	s6 =	sadd.s32 $0xE400, s7;
	s7 =	sadd.s32 $0x4400, s7;
	s9 =	sadd.s32 $0x7AA00, s9  }
.LBB2_1:
0xf: {  	[tilespmem:s3], [sflag:$0x2] =	stream.linear.gather [hbm4b:s6+s3], $0x3000, $0x38;
	[tilespmem:$0xBF00] =	vst v63  }
0x10: {  	_ =	swait.ge [sflag:s11], $0x3000  }
0x11: {  	[sflag:s11] =	ssyncset.done $0x0  }
0x12: {  	s15 =	simm.s32 $0x3000;
	[sflag:s11] =	ssyncadd.s32 $0xFFFFD000  }
0x13: {  	[tilespmem:s15], [sflag:$0x2] =	stream.linear.gather [hbm4b:s7+s3], $0x3000, $0x38;
	[tilespmem:$0xBF00] =	vst v63  }
0x14: {  	_ =	swait.ge [sflag:s11], $0x3000  }
0x15: {  	[sflag:s11] =	ssyncset.done $0x0  }
0x16: {  	[sflag:s11] =	ssyncadd.s32 $0xFFFFD000  }
0x17: {  	[spmem:s13], [sflag:s12] =	dma.local [hbm:s8], $0x9E0  }
0x18: {  	_ =	swait.ge [sflag:s11], $0x9E0  }
0x19: {  	p0 =	sle.u32 s5, $0x0;
	[sflag:s11] =	ssyncset.done $0x0  }
0x1a: {  	s16 =	simm.s32 @!p0 $0x80;
	[sflag:s11] =	ssyncadd.s32 $0xFFFFF620  }
0x1b: {  	s17 =	simm.s32 @!p0 $0x6000;
	s18 =	simm.s32 @!p0 $0x1;
	[bflag:$0x0] =	sbarrier.arrive $0xFFFF  }
0x1c: {  	[tilespmem:s17], [sflag:$0x1] =	stream.indirect.gather @!p0 [hbm4b:s4+s16], $0x20, s3, s16, $0xb8;
	[tilespmem:$0xBF00] =	vst v63  }
0x1d: {  	_ =	swait.ge @!p0 [sflag:s18], $0x1000  }
0x1e: {  	[sflag:s18] =	ssyncset.done @!p0 $0x0;
	p0 =	por p0, p0  }
0x1f: {  	[sflag:s18] =	ssyncadd.s32 @!p0 $0xFFFFF000  }
0x20: {  	[spmem:s2] =	stream.indirect.scatter.add.f32 @!p0 [tilespmem:s17], [sflag:$0x2], $0x20, s15, s16, $0xb8;
	[tilespmem:$0xBF00] =	vst v63  }
0x21: {  	p1 =	sle.u32 s5, $0x1;
	s18 =	simm.s32 @!p0 $0x2;
	s17 =	simm.s32 $0x2  }
0x22: {  	s15 =	simm.s32 $0x3080;
	s16 =	simm.s32 $0x80;
	_ =	swait.ge @!p0 [sflag:s18], $0x1000  }
.LBB2_2:
0x23: {  	s19 =	simm.s32 @!p1 $0x80;
	s20 =	simm.s32 @!p1 $0x6000;
	[sflag:s18] =	ssyncset.done @!p0 $0x0  }
0x24: {  	s21 =	smov.u32 s17;
	s22 =	smov.u32 s15;
	s17 =	sadd.s32 $0x1, s17  }
0x25: {  	s23 =	simm.s32 @!p1 $0x1;
	[sflag:s18] =	ssyncadd.s32 @!p0 $0xFFFFF000;
	p2 =	sne.s32 s17, $0x60  }
0x26: {  	[tilespmem:s20], [sflag:$0x1] =	stream.indirect.gather @!p1 [hbm4b:s4+s19], $0x20, s16, s19, $0xb8;
	[tilespmem:$0xBF00] =	vst v63  }
.Ltmp0:
0x27: {  	_ =	swait.ge @!p1 [sflag:s23], $0x1000;
	(pc) =	sbr.rel @p2 .LBB2_2-.Ltmp0, $4  }
0x28: {  	p0 =	por p1, p1;
	[sflag:s23] =	ssyncset.done @!p1 $0x0  }
0x29: {  	s15 =	sadd.s32 $0x80, s15;
	s18 =	simm.s32 @!p0 $0x2;
	[sflag:s23] =	ssyncadd.s32 @!p0 $0xFFFFF000  }
0x2a: {  	[spmem:s2] =	stream.indirect.scatter.add.f32 @!p0 [tilespmem:s20], [sflag:$0x2], $0x20, s22, s19, $0xb8;
	[tilespmem:$0xBF00] =	vst v63  }
0x2b: {  	s16 =	sadd.s32 $0x80, s16;
	p1 =	sge.u32 s21, s5;
	_ =	swait.ge @!p0 [sflag:s18], $0x1000  }
0x2c: {  	s17 =	simm.s32 @!p1 $0x80;
	[sflag:s18] =	ssyncset.done @!p0 $0x0  }
0x2d: {  	s19 =	simm.s32 @!p1 $0x6000;
	s20 =	simm.s32 @!p1 $0x1;
	[sflag:s18] =	ssyncadd.s32 @!p0 $0xFFFFF000  }
0x2e: {  	[tilespmem:s19], [sflag:$0x1] =	stream.indirect.gather @!p1 [hbm4b:s4+s17], $0x20, s16, s17, $0xb8;
	[tilespmem:$0xBF00] =	vst v63  }
0x2f: {  	_ =	swait.ge @!p1 [sflag:s20], $0x1000  }
0x30: {  	p0 =	por p1, p1;
	[sflag:s20] =	ssyncset.done @!p1 $0x0  }
0x31: {  	s16 =	simm.s32 @!p0 $0x2;
	[sflag:s20] =	ssyncadd.s32 @!p0 $0xFFFFF000  }
0x32: {  	[spmem:s2] =	stream.indirect.scatter.add.f32 @!p0 [tilespmem:s19], [sflag:$0x2], $0x20, s15, s17, $0xb8;
	[tilespmem:$0xBF00] =	vst v63  }
0x33: {  	_ =	swait.ge @!p0 [sflag:s16], $0x1000  }
0x34: {  	s14 =	sadd.s32 $0x1, s14;
	[sflag:s16] =	ssyncset.done @!p0 $0x0  }
0x35: {  	[sflag:s16] =	ssyncadd.s32 @!p0 $0xFFFFF000;
	p0 =	sne.s32 s14, s10  }
.Ltmp1:
0x36: {  	[bflag:$0x0] =	sbarrier.arrive $0xFFFF;
	(pc) =	sbr.rel @p0 .LBB2_1-.Ltmp1, $4  }
0x37: {  	[hbm:s9], [sflag:s12] =	dma.local [spmem:s13], $0x9E0  }
0x38: {  	_ =	swait.ge [sflag:s11], $0x9E0  }
0x39: {  	[sflag:s11] =	ssyncset.done $0x0  }
0x3a: {  	[sflag:s11] =	ssyncadd.s32 $0xFFFFF620  }
0x3b: {  	_ =	sfence.sel $0x180000  }
0x3c: {  	[bflag:$0x0] =	sbarrier.arrive $0xFFFF  }
0x3d: {  	p0 =	sne.s32 s0, $0x0;
	_ =	strace $0x90000053  }
0x3e: {  	s0 =	sadd.s32 @!p0 $0x100000, s1;
	[bflag:$0x2] =	sbarrier.arrive $0xFFFF  }
0x3f: {  	[sflag:s0] =	ssyncadd.tile.s32 @!p0 $0x1;
	_ =	shalt  }
.Lfunc_end2:
_tile_overlayer_lowered:
.L_overlay_start_2:
0x40: {  	(tag) =	ssettag $0x2  }
0x41: {  	s0 =	rddreg [dreg:$0x0];
	s2 =	stileid.u32  }
0x42: {  	s1 =	rddreg [dreg:$0x1];
	p0 =	sne.s32 s2, $0x0  }
0x43: {  	s3 =	rddreg [dreg:$0x2];
	[bflag:$0x3] =	sbarrier.arrive $0xFFFF;
	s2 =	simm.s32 @!p0 $0x1C02  }
0x44: {  	[timem:s3], [sflag:s2] =	dma.local @!p0 [hbm:s0], s1  }
0x45: {  	s0 =	simm.s32 @!p0 $0x2  }
0x46: {  	_ =	swait.ge @!p0 [sflag:s0], s1  }
0x47: {  	s1 =	ssub.s32 @!p0 $0x0, s1;
	[sflag:s0] =	ssyncset.done @!p0 $0x0  }
0x48: {  	[sflag:s0] =	ssyncadd.s32 @!p0 s1  }
0x49: {  	[bflag:$0x3] =	sbarrier.arrive $0xFFFF  }
0x4a: {  	_ =	shalt  }

</sc_bundles>
